<compile_context>
chip_gen: v7x
topology: tpu7x:2x2x1
jax: 0.10.2.dev20260603
libtpu: 0.0.44.dev20260713+nightly
codegen_flags: <defaults>
</compile_context>

<pallas_src>
import functools

import jax
import jax.numpy as jnp
from jax import lax
from jax.experimental import pallas as pl
from jax.experimental.pallas import tpu as pltpu
from jax.experimental.pallas import tpu_sc as plsc

_VOCAB = 1000000
_EMBED = 64
_NC = 2
_NS = 16
_NW = _NC * _NS
_CH = 100
_NBUF = 4


def _make_emb_kernel(n_b: int):
    mesh = plsc.VectorSubcoreMesh(core_axis_name="c", subcore_axis_name="s")

    @functools.partial(
        pl.kernel,
        mesh=mesh,
        compiler_params=pltpu.CompilerParams(use_tc_tiling_on_sc=False),
        out_type=jax.ShapeDtypeStruct((_NW * n_b, 200, _EMBED), jnp.float32),
        scratch_types=[
            pltpu.VMEM((n_b, 2, _CH), jnp.int32),
            pltpu.VMEM((_NBUF, 2 * _CH, _EMBED), jnp.float32),
            pltpu.SemaphoreType.DMA((_NBUF, 2)),
            pltpu.SemaphoreType.DMA((_NBUF,)),
        ],
    )
    def emb(idx_hbm, table_hbm, out_hbm, idx_v, rows, gsem, ssem):
        wid = lax.axis_index("s") * _NC + lax.axis_index("c")
        base = wid * n_b
        pltpu.sync_copy(idx_hbm.at[wid], idx_v)

        def gather(b, f):
            pltpu.async_copy(
                table_hbm.at[idx_v.at[b, 0]],
                rows.at[f, pl.ds(0, _CH)],
                gsem.at[f, 0],
            )
            pltpu.async_copy(
                table_hbm.at[idx_v.at[b, 1]],
                rows.at[f, pl.ds(_CH, _CH)],
                gsem.at[f, 1],
            )

        def gwait(b, f):
            pltpu.make_async_copy(
                table_hbm.at[idx_v.at[b, 0]],
                rows.at[f, pl.ds(0, _CH)],
                gsem.at[f, 0],
            ).wait()
            pltpu.make_async_copy(
                table_hbm.at[idx_v.at[b, 1]],
                rows.at[f, pl.ds(_CH, _CH)],
                gsem.at[f, 1],
            ).wait()

        def store(b, f):
            pltpu.async_copy(rows.at[f], out_hbm.at[base + b], ssem.at[f])

        def swait(b, f):
            pltpu.make_async_copy(
                rows.at[f], out_hbm.at[base + b], ssem.at[f]
            ).wait()

        for f in range(_NBUF):
            gather(f, f)

        def body(i, _):
            b0 = i * _NBUF
            for f in range(_NBUF):
                b = b0 + f
                gwait(b, f)
                store(b, f)
                swait(b, f)

                @pl.when(b + _NBUF < n_b)
                def _():
                    gather(b + _NBUF, f)

            return 0

        lax.fori_loop(0, n_b // _NBUF, body, 0)

    return emb


def kernel(input, table):
    bsz, seq = input.shape
    n_b = bsz // _NW
    idx = input.reshape(_NW, n_b, 2, _CH).astype(jnp.int32)
    t2 = jax.lax.optimization_barrier(table.reshape(_VOCAB // 2, 2 * _EMBED))
    t3 = t2.reshape(_VOCAB, _EMBED)
    return _make_emb_kernel(n_b)(idx, t3)

# --- scband reference (transcript-rebuilt; emitter-appended) ---
"""Pipeline reference for scband-module-627065225294 (READ-ONLY COPY).

The authoritative reference and input builder live on the scoring server;
editing this copy changes nothing except your own understanding.
"""

import jax, jax.numpy as jnp
import numpy as np

VOCAB = 1000000
EMBED = 64
PADDING_IDX = 0

def setup_inputs(seed: int = 0) -> dict:
    key = jax.random.key(seed)
    k1, k2 = jax.random.split(key)
    input_ids = jax.random.randint(k1, (4096, 200), 0, VOCAB, dtype=jnp.int64)
    table = jax.random.normal(k2, (VOCAB, EMBED), dtype=jnp.float32)
    # nn.Embedding with padding_idx zeros that row at init
    table = table.at[PADDING_IDX].set(0.0)
    return {"input": input_ids, "table": table}

def reference(input, table):
    # Faithful embedding lookup (nn.Embedding.forward equivalent).
    # padding_idx row is held at zero (as torch does).
    row_ids = jnp.arange(table.shape[0])[:, None]
    table_masked = jnp.where(row_ids == PADDING_IDX, 0.0, table)
    out = jnp.take(table_masked, input, axis=0)
    return out

if __name__ == "__main__":
    import jax
    _d = setup_inputs()
    print(jax.jit(kernel)(*tuple(_d.values())))

</pallas_src>

<mosaic_0001>
#map = affine_map<(d0, d1) -> (0, 0, 0, 0)>
#map1 = affine_map<(d0, d1) -> (0, 0)>
#map2 = affine_map<(d0, d1) -> (0, 0, 0)>
module attributes {stable_mosaic.version = 14 : i64} {
  func.func @emb(%arg0: i32, %arg1: i32, %arg2: memref<32x128x2x100xi32, #tpu.memory_space<hbm>>, %arg3: memref<1000000x64xf32, #tpu.memory_space<hbm>>, %arg4: memref<4096x200x64xf32, #tpu.memory_space<hbm>>, %arg5: memref<128x2x100xi32, #tpu.memory_space<vmem>>, %arg6: memref<4x200x64xf32, #tpu.memory_space<vmem>>, %arg7: memref<4x2x!tpu.dma_semaphore, #tpu.memory_space<semaphore_mem>>, %arg8: memref<4x!tpu.dma_semaphore, #tpu.memory_space<semaphore_mem>>) attributes {dimension_semantics = [#tpu.dimension_semantics<core_parallel>, #tpu.dimension_semantics<subcore_parallel>], iteration_bounds = array<i64: 2, 16>, scalar_prefetch = 0 : i64, scratch_operands = 4 : i64, tpu.core_type = #tpu.core_type<sc_vector_subcore>, window_params = [{transform_indices = #map}, {transform_indices = #map1}, {transform_indices = #map2}]} {
    %mul3A = arith.constant 2 : i32
    %mul3A_0 = arith.muli %arg1, %mul3A : i32
    %add3A = arith.addi %mul3A_0, %arg0 : i32
    %mul3A_1 = arith.constant 128 : i32
    %mul3A_2 = arith.muli %add3A, %mul3A_1 : i32
    "tpu.region"() ({
      %run_scoped3A = tpu.sem_alloc : memref<!tpu.dma_semaphore, #tpu.memory_space<semaphore_mem>>
      %dma_start3A_144 = arith.constant 0 : i32
      %dma_start3A_145 = arith.constant 0 : i32
      %dma_start3A_146 = arith.constant 0 : i32
      %dma_start3A_147 = tpu.memref_slice %arg2[%add3A, %dma_start3A_144, %dma_start3A_145, %dma_start3A_146] : memref<32x128x2x100xi32, #tpu.memory_space<hbm>> -> memref<1x128x2x100xi32, #tpu.memory_space<hbm>>
      %dma_start3A_148 = tpu.memref_squeeze %dma_start3A_147 : memref<1x128x2x100xi32, #tpu.memory_space<hbm>> -> memref<128x2x100xi32, #tpu.memory_space<hbm>>
      %dma_start3A_149 = arith.constant 0 : i32
      %dma_start3A_150 = arith.constant 0 : i32
      %dma_start3A_151 = arith.constant 0 : i32
      %dma_start3A_152 = tpu.memref_slice %arg2[%add3A, %dma_start3A_149, %dma_start3A_150, %dma_start3A_151] : memref<32x128x2x100xi32, #tpu.memory_space<hbm>> -> memref<1x128x2x100xi32, #tpu.memory_space<hbm>>
      %dma_start3A_153 = tpu.memref_squeeze %dma_start3A_152 : memref<1x128x2x100xi32, #tpu.memory_space<hbm>> -> memref<128x2x100xi32, #tpu.memory_space<hbm>>
      tpu.enqueue_dma source(%dma_start3A_153 : memref<128x2x100xi32, #tpu.memory_space<hbm>>) target(%arg5 : memref<128x2x100xi32, #tpu.memory_space<vmem>>) target_semaphore(%run_scoped3A : memref<!tpu.dma_semaphore, #tpu.memory_space<semaphore_mem>>)
      %dma_wait3A = arith.constant 0 : i32
      %dma_wait3A_154 = arith.constant 0 : i32
      %dma_wait3A_155 = arith.constant 0 : i32
      %dma_wait3A_156 = tpu.memref_slice %arg2[%add3A, %dma_wait3A, %dma_wait3A_154, %dma_wait3A_155] : memref<32x128x2x100xi32, #tpu.memory_space<hbm>> -> memref<1x128x2x100xi32, #tpu.memory_space<hbm>>
      %dma_wait3A_157 = tpu.memref_squeeze %dma_wait3A_156 : memref<1x128x2x100xi32, #tpu.memory_space<hbm>> -> memref<128x2x100xi32, #tpu.memory_space<hbm>>
      %dma_wait3A_158 = arith.constant 0 : i32
      %dma_wait3A_159 = arith.constant 0 : i32
      %dma_wait3A_160 = arith.constant 0 : i32
      %dma_wait3A_161 = tpu.memref_slice %arg2[%add3A, %dma_wait3A_158, %dma_wait3A_159, %dma_wait3A_160] : memref<32x128x2x100xi32, #tpu.memory_space<hbm>> -> memref<1x128x2x100xi32, #tpu.memory_space<hbm>>
      %dma_wait3A_162 = tpu.memref_squeeze %dma_wait3A_161 : memref<1x128x2x100xi32, #tpu.memory_space<hbm>> -> memref<128x2x100xi32, #tpu.memory_space<hbm>>
      tpu.wait_dma2 semaphore(%run_scoped3A : memref<!tpu.dma_semaphore, #tpu.memory_space<semaphore_mem>>) src(%dma_wait3A_162 : memref<128x2x100xi32, #tpu.memory_space<hbm>>) dst(%arg5 : memref<128x2x100xi32, #tpu.memory_space<vmem>>)
      tpu.yield
    }) : () -> ()
    %dma_start3A = arith.constant 0 : i32
    %dma_start3A_3 = arith.constant 0 : i32
    %dma_start3A_4 = arith.constant 0 : i32
    %dma_start3A_5 = arith.constant 0 : i32
    %dma_start3A_6 = arith.constant 0 : i32
    %dma_start3A_7 = arith.constant 0 : i32
    %dma_start3A_8 = arith.constant 0 : i32
    %dma_start3A_9 = tpu.memref_slice %arg6[%dma_start3A_4, %dma_start3A_7, %dma_start3A_8] : memref<4x200x64xf32, #tpu.memory_space<vmem>> -> memref<1x100x64xf32, #tpu.memory_space<vmem>>
    %dma_start3A_10 = tpu.memref_squeeze %dma_start3A_9 : memref<1x100x64xf32, #tpu.memory_space<vmem>> -> memref<100x64xf32, #tpu.memory_space<vmem>>
    %dma_start3A_11 = arith.constant 0 : i32
    %dma_start3A_12 = tpu.memref_slice %arg5[%dma_start3A, %dma_start3A_3, %dma_start3A_11] : memref<128x2x100xi32, #tpu.memory_space<vmem>> -> memref<1x1x100xi32, #tpu.memory_space<vmem>>
    %dma_start3A_13 = tpu.memref_squeeze %dma_start3A_12 : memref<1x1x100xi32, #tpu.memory_space<vmem>> -> memref<100xi32, #tpu.memory_space<vmem>>
    %dma_start3A_14 = arith.constant 0 : i32
    %dma_start3A_15 = arith.constant 0 : i32
    %dma_start3A_16 = tpu.memref_slice %arg3[%dma_start3A_14, %dma_start3A_15] : memref<1000000x64xf32, #tpu.memory_space<hbm>> -> memref<1000000x64xf32, #tpu.memory_space<hbm>>
    %dma_start3A_17 = tpu.memref_slice %arg7[%dma_start3A_5, %dma_start3A_6] : memref<4x2x!tpu.dma_semaphore, #tpu.memory_space<semaphore_mem>> -> memref<1x1x!tpu.dma_semaphore, #tpu.memory_space<semaphore_mem>>
    %dma_start3A_18 = tpu.memref_squeeze %dma_start3A_17 : memref<1x1x!tpu.dma_semaphore, #tpu.memory_space<semaphore_mem>> -> memref<!tpu.dma_semaphore, #tpu.memory_space<semaphore_mem>>
    tpu.enqueue_indirect_dma source(%dma_start3A_16 : memref<1000000x64xf32, #tpu.memory_space<hbm>>) target(%dma_start3A_10 : memref<100x64xf32, #tpu.memory_space<vmem>>) offsets(%dma_start3A_13 : memref<100xi32, #tpu.memory_space<vmem>>) semaphore(%dma_start3A_18 : memref<!tpu.dma_semaphore, #tpu.memory_space<semaphore_mem>>)
    %dma_start3A_19 = arith.constant 0 : i32
    %dma_start3A_20 = arith.constant 1 : i32
    %dma_start3A_21 = arith.constant 0 : i32
    %dma_start3A_22 = arith.constant 0 : i32
    %dma_start3A_23 = arith.constant 1 : i32
    %dma_start3A_24 = arith.constant 100 : i32
    %dma_start3A_25 = arith.constant 0 : i32
    %dma_start3A_26 = tpu.memref_slice %arg6[%dma_start3A_21, %dma_start3A_24, %dma_start3A_25] : memref<4x200x64xf32, #tpu.memory_space<vmem>> -> memref<1x100x64xf32, #tpu.memory_space<vmem>>
    %dma_start3A_27 = tpu.memref_squeeze %dma_start3A_26 : memref<1x100x64xf32, #tpu.memory_space<vmem>> -> memref<100x64xf32, #tpu.memory_space<vmem>>
    %dma_start3A_28 = arith.constant 0 : i32
    %dma_start3A_29 = tpu.memref_slice %arg5[%dma_start3A_19, %dma_start3A_20, %dma_start3A_28] : memref<128x2x100xi32, #tpu.memory_space<vmem>> -> memref<1x1x100xi32, #tpu.memory_space<vmem>>
    %dma_start3A_30 = tpu.memref_squeeze %dma_start3A_29 : memref<1x1x100xi32, #tpu.memory_space<vmem>> -> memref<100xi32, #tpu.memory_space<vmem>>
    %dma_start3A_31 = arith.constant 0 : i32
    %dma_start3A_32 = arith.constant 0 : i32
    %dma_start3A_33 = tpu.memref_slice %arg3[%dma_start3A_31, %dma_start3A_32] : memref<1000000x64xf32, #tpu.memory_space<hbm>> -> memref<1000000x64xf32, #tpu.memory_space<hbm>>
    %dma_start3A_34 = tpu.memref_slice %arg7[%dma_start3A_22, %dma_start3A_23] : memref<4x2x!tpu.dma_semaphore, #tpu.memory_space<semaphore_mem>> -> memref<1x1x!tpu.dma_semaphore, #tpu.memory_space<semaphore_mem>>
    %dma_start3A_35 = tpu.memref_squeeze %dma_start3A_34 : memref<1x1x!tpu.dma_semaphore, #tpu.memory_space<semaphore_mem>> -> memref<!tpu.dma_semaphore, #tpu.memory_space<semaphore_mem>>
    tpu.enqueue_indirect_dma source(%dma_start3A_33 : memref<1000000x64xf32, #tpu.memory_space<hbm>>) target(%dma_start3A_27 : memref<100x64xf32, #tpu.memory_space<vmem>>) offsets(%dma_start3A_30 : memref<100xi32, #tpu.memory_space<vmem>>) semaphore(%dma_start3A_35 : memref<!tpu.dma_semaphore, #tpu.memory_space<semaphore_mem>>)
    %dma_start3A_36 = arith.constant 1 : i32
    %dma_start3A_37 = arith.constant 0 : i32
    %dma_start3A_38 = arith.constant 1 : i32
    %dma_start3A_39 = arith.constant 1 : i32
    %dma_start3A_40 = arith.constant 0 : i32
    %dma_start3A_41 = arith.constant 0 : i32
    %dma_start3A_42 = arith.constant 0 : i32
    %dma_start3A_43 = tpu.memref_slice %arg6[%dma_start3A_38, %dma_start3A_41, %dma_start3A_42] : memref<4x200x64xf32, #tpu.memory_space<vmem>> -> memref<1x100x64xf32, #tpu.memory_space<vmem>>
    %dma_start3A_44 = tpu.memref_squeeze %dma_start3A_43 : memref<1x100x64xf32, #tpu.memory_space<vmem>> -> memref<100x64xf32, #tpu.memory_space<vmem>>
    %dma_start3A_45 = arith.constant 0 : i32
    %dma_start3A_46 = tpu.memref_slice %arg5[%dma_start3A_36, %dma_start3A_37, %dma_start3A_45] : memref<128x2x100xi32, #tpu.memory_space<vmem>> -> memref<1x1x100xi32, #tpu.memory_space<vmem>>
    %dma_start3A_47 = tpu.memref_squeeze %dma_start3A_46 : memref<1x1x100xi32, #tpu.memory_space<vmem>> -> memref<100xi32, #tpu.memory_space<vmem>>
    %dma_start3A_48 = arith.constant 0 : i32
    %dma_start3A_49 = arith.constant 0 : i32
    %dma_start3A_50 = tpu.memref_slice %arg3[%dma_start3A_48, %dma_start3A_49] : memref<1000000x64xf32, #tpu.memory_space<hbm>> -> memref<1000000x64xf32, #tpu.memory_space<hbm>>
    %dma_start3A_51 = tpu.memref_slice %arg7[%dma_start3A_39, %dma_start3A_40] : memref<4x2x!tpu.dma_semaphore, #tpu.memory_space<semaphore_mem>> -> memref<1x1x!tpu.dma_semaphore, #tpu.memory_space<semaphore_mem>>
    %dma_start3A_52 = tpu.memref_squeeze %dma_start3A_51 : memref<1x1x!tpu.dma_semaphore, #tpu.memory_space<semaphore_mem>> -> memref<!tpu.dma_semaphore, #tpu.memory_space<semaphore_mem>>
    tpu.enqueue_indirect_dma source(%dma_start3A_50 : memref<1000000x64xf32, #tpu.memory_space<hbm>>) target(%dma_start3A_44 : memref<100x64xf32, #tpu.memory_space<vmem>>) offsets(%dma_start3A_47 : memref<100xi32, #tpu.memory_space<vmem>>) semaphore(%dma_start3A_52 : memref<!tpu.dma_semaphore, #tpu.memory_space<semaphore_mem>>)
    %dma_start3A_53 = arith.constant 1 : i32
    %dma_start3A_54 = arith.constant 1 : i32
    %dma_start3A_55 = arith.constant 1 : i32
    %dma_start3A_56 = arith.constant 1 : i32
    %dma_start3A_57 = arith.constant 1 : i32
    %dma_start3A_58 = arith.constant 100 : i32
    %dma_start3A_59 = arith.constant 0 : i32
    %dma_start3A_60 = tpu.memref_slice %arg6[%dma_start3A_55, %dma_start3A_58, %dma_start3A_59] : memref<4x200x64xf32, #tpu.memory_space<vmem>> -> memref<1x100x64xf32, #tpu.memory_space<vmem>>
    %dma_start3A_61 = tpu.memref_squeeze %dma_start3A_60 : memref<1x100x64xf32, #tpu.memory_space<vmem>> -> memref<100x64xf32, #tpu.memory_space<vmem>>
    %dma_start3A_62 = arith.constant 0 : i32
    %dma_start3A_63 = tpu.memref_slice %arg5[%dma_start3A_53, %dma_start3A_54, %dma_start3A_62] : memref<128x2x100xi32, #tpu.memory_space<vmem>> -> memref<1x1x100xi32, #tpu.memory_space<vmem>>
    %dma_start3A_64 = tpu.memref_squeeze %dma_start3A_63 : memref<1x1x100xi32, #tpu.memory_space<vmem>> -> memref<100xi32, #tpu.memory_space<vmem>>
    %dma_start3A_65 = arith.constant 0 : i32
    %dma_start3A_66 = arith.constant 0 : i32
    %dma_start3A_67 = tpu.memref_slice %arg3[%dma_start3A_65, %dma_start3A_66] : memref<1000000x64xf32, #tpu.memory_space<hbm>> -> memref<1000000x64xf32, #tpu.memory_space<hbm>>
    %dma_start3A_68 = tpu.memref_slice %arg7[%dma_start3A_56, %dma_start3A_57] : memref<4x2x!tpu.dma_semaphore, #tpu.memory_space<semaphore_mem>> -> memref<1x1x!tpu.dma_semaphore, #tpu.memory_space<semaphore_mem>>
    %dma_start3A_69 = tpu.memref_squeeze %dma_start3A_68 : memref<1x1x!tpu.dma_semaphore, #tpu.memory_space<semaphore_mem>> -> memref<!tpu.dma_semaphore, #tpu.memory_space<semaphore_mem>>
    tpu.enqueue_indirect_dma source(%dma_start3A_67 : memref<1000000x64xf32, #tpu.memory_space<hbm>>) target(%dma_start3A_61 : memref<100x64xf32, #tpu.memory_space<vmem>>) offsets(%dma_start3A_64 : memref<100xi32, #tpu.memory_space<vmem>>) semaphore(%dma_start3A_69 : memref<!tpu.dma_semaphore, #tpu.memory_space<semaphore_mem>>)
    %dma_start3A_70 = arith.constant 2 : i32
    %dma_start3A_71 = arith.constant 0 : i32
    %dma_start3A_72 = arith.constant 2 : i32
    %dma_start3A_73 = arith.constant 2 : i32
    %dma_start3A_74 = arith.constant 0 : i32
    %dma_start3A_75 = arith.constant 0 : i32
    %dma_start3A_76 = arith.constant 0 : i32
    %dma_start3A_77 = tpu.memref_slice %arg6[%dma_start3A_72, %dma_start3A_75, %dma_start3A_76] : memref<4x200x64xf32, #tpu.memory_space<vmem>> -> memref<1x100x64xf32, #tpu.memory_space<vmem>>
    %dma_start3A_78 = tpu.memref_squeeze %dma_start3A_77 : memref<1x100x64xf32, #tpu.memory_space<vmem>> -> memref<100x64xf32, #tpu.memory_space<vmem>>
    %dma_start3A_79 = arith.constant 0 : i32
    %dma_start3A_80 = tpu.memref_slice %arg5[%dma_start3A_70, %dma_start3A_71, %dma_start3A_79] : memref<128x2x100xi32, #tpu.memory_space<vmem>> -> memref<1x1x100xi32, #tpu.memory_space<vmem>>
    %dma_start3A_81 = tpu.memref_squeeze %dma_start3A_80 : memref<1x1x100xi32, #tpu.memory_space<vmem>> -> memref<100xi32, #tpu.memory_space<vmem>>
    %dma_start3A_82 = arith.constant 0 : i32
    %dma_start3A_83 = arith.constant 0 : i32
    %dma_start3A_84 = tpu.memref_slice %arg3[%dma_start3A_82, %dma_start3A_83] : memref<1000000x64xf32, #tpu.memory_space<hbm>> -> memref<1000000x64xf32, #tpu.memory_space<hbm>>
    %dma_start3A_85 = tpu.memref_slice %arg7[%dma_start3A_73, %dma_start3A_74] : memref<4x2x!tpu.dma_semaphore, #tpu.memory_space<semaphore_mem>> -> memref<1x1x!tpu.dma_semaphore, #tpu.memory_space<semaphore_mem>>
    %dma_start3A_86 = tpu.memref_squeeze %dma_start3A_85 : memref<1x1x!tpu.dma_semaphore, #tpu.memory_space<semaphore_mem>> -> memref<!tpu.dma_semaphore, #tpu.memory_space<semaphore_mem>>
    tpu.enqueue_indirect_dma source(%dma_start3A_84 : memref<1000000x64xf32, #tpu.memory_space<hbm>>) target(%dma_start3A_78 : memref<100x64xf32, #tpu.memory_space<vmem>>) offsets(%dma_start3A_81 : memref<100xi32, #tpu.memory_space<vmem>>) semaphore(%dma_start3A_86 : memref<!tpu.dma_semaphore, #tpu.memory_space<semaphore_mem>>)
    %dma_start3A_87 = arith.constant 2 : i32
    %dma_start3A_88 = arith.constant 1 : i32
    %dma_start3A_89 = arith.constant 2 : i32
    %dma_start3A_90 = arith.constant 2 : i32
    %dma_start3A_91 = arith.constant 1 : i32
    %dma_start3A_92 = arith.constant 100 : i32
    %dma_start3A_93 = arith.constant 0 : i32
    %dma_start3A_94 = tpu.memref_slice %arg6[%dma_start3A_89, %dma_start3A_92, %dma_start3A_93] : memref<4x200x64xf32, #tpu.memory_space<vmem>> -> memref<1x100x64xf32, #tpu.memory_space<vmem>>
    %dma_start3A_95 = tpu.memref_squeeze %dma_start3A_94 : memref<1x100x64xf32, #tpu.memory_space<vmem>> -> memref<100x64xf32, #tpu.memory_space<vmem>>
    %dma_start3A_96 = arith.constant 0 : i32
    %dma_start3A_97 = tpu.memref_slice %arg5[%dma_start3A_87, %dma_start3A_88, %dma_start3A_96] : memref<128x2x100xi32, #tpu.memory_space<vmem>> -> memref<1x1x100xi32, #tpu.memory_space<vmem>>
    %dma_start3A_98 = tpu.memref_squeeze %dma_start3A_97 : memref<1x1x100xi32, #tpu.memory_space<vmem>> -> memref<100xi32, #tpu.memory_space<vmem>>
    %dma_start3A_99 = arith.constant 0 : i32
    %dma_start3A_100 = arith.constant 0 : i32
    %dma_start3A_101 = tpu.memref_slice %arg3[%dma_start3A_99, %dma_start3A_100] : memref<1000000x64xf32, #tpu.memory_space<hbm>> -> memref<1000000x64xf32, #tpu.memory_space<hbm>>
    %dma_start3A_102 = tpu.memref_slice %arg7[%dma_start3A_90, %dma_start3A_91] : memref<4x2x!tpu.dma_semaphore, #tpu.memory_space<semaphore_mem>> -> memref<1x1x!tpu.dma_semaphore, #tpu.memory_space<semaphore_mem>>
    %dma_start3A_103 = tpu.memref_squeeze %dma_start3A_102 : memref<1x1x!tpu.dma_semaphore, #tpu.memory_space<semaphore_mem>> -> memref<!tpu.dma_semaphore, #tpu.memory_space<semaphore_mem>>
    tpu.enqueue_indirect_dma source(%dma_start3A_101 : memref<1000000x64xf32, #tpu.memory_space<hbm>>) target(%dma_start3A_95 : memref<100x64xf32, #tpu.memory_space<vmem>>) offsets(%dma_start3A_98 : memref<100xi32, #tpu.memory_space<vmem>>) semaphore(%dma_start3A_103 : memref<!tpu.dma_semaphore, #tpu.memory_space<semaphore_mem>>)
    %dma_start3A_104 = arith.constant 3 : i32
    %dma_start3A_105 = arith.constant 0 : i32
    %dma_start3A_106 = arith.constant 3 : i32
    %dma_start3A_107 = arith.constant 3 : i32
    %dma_start3A_108 = arith.constant 0 : i32
    %dma_start3A_109 = arith.constant 0 : i32
    %dma_start3A_110 = arith.constant 0 : i32
    %dma_start3A_111 = tpu.memref_slice %arg6[%dma_start3A_106, %dma_start3A_109, %dma_start3A_110] : memref<4x200x64xf32, #tpu.memory_space<vmem>> -> memref<1x100x64xf32, #tpu.memory_space<vmem>>
    %dma_start3A_112 = tpu.memref_squeeze %dma_start3A_111 : memref<1x100x64xf32, #tpu.memory_space<vmem>> -> memref<100x64xf32, #tpu.memory_space<vmem>>
    %dma_start3A_113 = arith.constant 0 : i32
    %dma_start3A_114 = tpu.memref_slice %arg5[%dma_start3A_104, %dma_start3A_105, %dma_start3A_113] : memref<128x2x100xi32, #tpu.memory_space<vmem>> -> memref<1x1x100xi32, #tpu.memory_space<vmem>>
    %dma_start3A_115 = tpu.memref_squeeze %dma_start3A_114 : memref<1x1x100xi32, #tpu.memory_space<vmem>> -> memref<100xi32, #tpu.memory_space<vmem>>
    %dma_start3A_116 = arith.constant 0 : i32
    %dma_start3A_117 = arith.constant 0 : i32
    %dma_start3A_118 = tpu.memref_slice %arg3[%dma_start3A_116, %dma_start3A_117] : memref<1000000x64xf32, #tpu.memory_space<hbm>> -> memref<1000000x64xf32, #tpu.memory_space<hbm>>
    %dma_start3A_119 = tpu.memref_slice %arg7[%dma_start3A_107, %dma_start3A_108] : memref<4x2x!tpu.dma_semaphore, #tpu.memory_space<semaphore_mem>> -> memref<1x1x!tpu.dma_semaphore, #tpu.memory_space<semaphore_mem>>
    %dma_start3A_120 = tpu.memref_squeeze %dma_start3A_119 : memref<1x1x!tpu.dma_semaphore, #tpu.memory_space<semaphore_mem>> -> memref<!tpu.dma_semaphore, #tpu.memory_space<semaphore_mem>>
    tpu.enqueue_indirect_dma source(%dma_start3A_118 : memref<1000000x64xf32, #tpu.memory_space<hbm>>) target(%dma_start3A_112 : memref<100x64xf32, #tpu.memory_space<vmem>>) offsets(%dma_start3A_115 : memref<100xi32, #tpu.memory_space<vmem>>) semaphore(%dma_start3A_120 : memref<!tpu.dma_semaphore, #tpu.memory_space<semaphore_mem>>)
    %dma_start3A_121 = arith.constant 3 : i32
    %dma_start3A_122 = arith.constant 1 : i32
    %dma_start3A_123 = arith.constant 3 : i32
    %dma_start3A_124 = arith.constant 3 : i32
    %dma_start3A_125 = arith.constant 1 : i32
    %dma_start3A_126 = arith.constant 100 : i32
    %dma_start3A_127 = arith.constant 0 : i32
    %dma_start3A_128 = tpu.memref_slice %arg6[%dma_start3A_123, %dma_start3A_126, %dma_start3A_127] : memref<4x200x64xf32, #tpu.memory_space<vmem>> -> memref<1x100x64xf32, #tpu.memory_space<vmem>>
    %dma_start3A_129 = tpu.memref_squeeze %dma_start3A_128 : memref<1x100x64xf32, #tpu.memory_space<vmem>> -> memref<100x64xf32, #tpu.memory_space<vmem>>
    %dma_start3A_130 = arith.constant 0 : i32
    %dma_start3A_131 = tpu.memref_slice %arg5[%dma_start3A_121, %dma_start3A_122, %dma_start3A_130] : memref<128x2x100xi32, #tpu.memory_space<vmem>> -> memref<1x1x100xi32, #tpu.memory_space<vmem>>
    %dma_start3A_132 = tpu.memref_squeeze %dma_start3A_131 : memref<1x1x100xi32, #tpu.memory_space<vmem>> -> memref<100xi32, #tpu.memory_space<vmem>>
    %dma_start3A_133 = arith.constant 0 : i32
    %dma_start3A_134 = arith.constant 0 : i32
    %dma_start3A_135 = tpu.memref_slice %arg3[%dma_start3A_133, %dma_start3A_134] : memref<1000000x64xf32, #tpu.memory_space<hbm>> -> memref<1000000x64xf32, #tpu.memory_space<hbm>>
    %dma_start3A_136 = tpu.memref_slice %arg7[%dma_start3A_124, %dma_start3A_125] : memref<4x2x!tpu.dma_semaphore, #tpu.memory_space<semaphore_mem>> -> memref<1x1x!tpu.dma_semaphore, #tpu.memory_space<semaphore_mem>>
    %dma_start3A_137 = tpu.memref_squeeze %dma_start3A_136 : memref<1x1x!tpu.dma_semaphore, #tpu.memory_space<semaphore_mem>> -> memref<!tpu.dma_semaphore, #tpu.memory_space<semaphore_mem>>
    tpu.enqueue_indirect_dma source(%dma_start3A_135 : memref<1000000x64xf32, #tpu.memory_space<hbm>>) target(%dma_start3A_129 : memref<100x64xf32, #tpu.memory_space<vmem>>) offsets(%dma_start3A_132 : memref<100xi32, #tpu.memory_space<vmem>>) semaphore(%dma_start3A_137 : memref<!tpu.dma_semaphore, #tpu.memory_space<semaphore_mem>>)
    %scan3A = arith.constant 0 : i32
    %scan3A_138 = arith.constant 0 : i32
    %scan3A_139 = arith.constant 32 : i32
    %scan3A_140 = arith.addi %scan3A_138, %scan3A_139 : i32
    %scan3A_141 = arith.constant 1 : i32
    %scan3A_142 = scf.for %scan3A_144 = %scan3A_138 to %scan3A_140 step %scan3A_141 iter_args(%scan3A_145 = %scan3A) -> (i32)  : i32 {
      %mul3A_146 = arith.constant 4 : i32
      %mul3A_147 = arith.muli %scan3A_144, %mul3A_146 : i32
      %add3A_148 = arith.constant 0 : i32
      %add3A_149 = arith.addi %mul3A_147, %add3A_148 : i32
      %dma_wait3A = arith.constant 0 : i32
      %dma_wait3A_150 = arith.constant 0 : i32
      %dma_wait3A_151 = arith.constant 0 : i32
      %dma_wait3A_152 = arith.constant 0 : i32
      %dma_wait3A_153 = arith.constant 0 : i32
      %dma_wait3A_154 = arith.constant 0 : i32
      %dma_wait3A_155 = tpu.memref_slice %arg6[%dma_wait3A_150, %dma_wait3A_153, %dma_wait3A_154] : memref<4x200x64xf32, #tpu.memory_space<vmem>> -> memref<1x100x64xf32, #tpu.memory_space<vmem>>
      %dma_wait3A_156 = tpu.memref_squeeze %dma_wait3A_155 : memref<1x100x64xf32, #tpu.memory_space<vmem>> -> memref<100x64xf32, #tpu.memory_space<vmem>>
      %dma_wait3A_157 = arith.constant 0 : i32
      %dma_wait3A_158 = tpu.memref_slice %arg5[%add3A_149, %dma_wait3A, %dma_wait3A_157] : memref<128x2x100xi32, #tpu.memory_space<vmem>> -> memref<1x1x100xi32, #tpu.memory_space<vmem>>
      %dma_wait3A_159 = tpu.memref_squeeze %dma_wait3A_158 : memref<1x1x100xi32, #tpu.memory_space<vmem>> -> memref<100xi32, #tpu.memory_space<vmem>>
      %dma_wait3A_160 = arith.constant 0 : i32
      %dma_wait3A_161 = arith.constant 0 : i32
      %dma_wait3A_162 = tpu.memref_slice %arg3[%dma_wait3A_160, %dma_wait3A_161] : memref<1000000x64xf32, #tpu.memory_space<hbm>> -> memref<1000000x64xf32, #tpu.memory_space<hbm>>
      %dma_wait3A_163 = tpu.memref_slice %arg7[%dma_wait3A_151, %dma_wait3A_152] : memref<4x2x!tpu.dma_semaphore, #tpu.memory_space<semaphore_mem>> -> memref<1x1x!tpu.dma_semaphore, #tpu.memory_space<semaphore_mem>>
      %dma_wait3A_164 = tpu.memref_squeeze %dma_wait3A_163 : memref<1x1x!tpu.dma_semaphore, #tpu.memory_space<semaphore_mem>> -> memref<!tpu.dma_semaphore, #tpu.memory_space<semaphore_mem>>
      tpu.wait_indirect_dma semaphore(%dma_wait3A_164 : memref<!tpu.dma_semaphore, #tpu.memory_space<semaphore_mem>>) src(%dma_wait3A_162 : memref<1000000x64xf32, #tpu.memory_space<hbm>>) dst(%dma_wait3A_156 : memref<100x64xf32, #tpu.memory_space<vmem>>)
      %dma_wait3A_165 = arith.constant 1 : i32
      %dma_wait3A_166 = arith.constant 0 : i32
      %dma_wait3A_167 = arith.constant 0 : i32
      %dma_wait3A_168 = arith.constant 1 : i32
      %dma_wait3A_169 = arith.constant 100 : i32
      %dma_wait3A_170 = arith.constant 0 : i32
      %dma_wait3A_171 = tpu.memref_slice %arg6[%dma_wait3A_166, %dma_wait3A_169, %dma_wait3A_170] : memref<4x200x64xf32, #tpu.memory_space<vmem>> -> memref<1x100x64xf32, #tpu.memory_space<vmem>>
      %dma_wait3A_172 = tpu.memref_squeeze %dma_wait3A_171 : memref<1x100x64xf32, #tpu.memory_space<vmem>> -> memref<100x64xf32, #tpu.memory_space<vmem>>
      %dma_wait3A_173 = arith.constant 0 : i32
      %dma_wait3A_174 = tpu.memref_slice %arg5[%add3A_149, %dma_wait3A_165, %dma_wait3A_173] : memref<128x2x100xi32, #tpu.memory_space<vmem>> -> memref<1x1x100xi32, #tpu.memory_space<vmem>>
      %dma_wait3A_175 = tpu.memref_squeeze %dma_wait3A_174 : memref<1x1x100xi32, #tpu.memory_space<vmem>> -> memref<100xi32, #tpu.memory_space<vmem>>
      %dma_wait3A_176 = arith.constant 0 : i32
      %dma_wait3A_177 = arith.constant 0 : i32
      %dma_wait3A_178 = tpu.memref_slice %arg3[%dma_wait3A_176, %dma_wait3A_177] : memref<1000000x64xf32, #tpu.memory_space<hbm>> -> memref<1000000x64xf32, #tpu.memory_space<hbm>>
      %dma_wait3A_179 = tpu.memref_slice %arg7[%dma_wait3A_167, %dma_wait3A_168] : memref<4x2x!tpu.dma_semaphore, #tpu.memory_space<semaphore_mem>> -> memref<1x1x!tpu.dma_semaphore, #tpu.memory_space<semaphore_mem>>
      %dma_wait3A_180 = tpu.memref_squeeze %dma_wait3A_179 : memref<1x1x!tpu.dma_semaphore, #tpu.memory_space<semaphore_mem>> -> memref<!tpu.dma_semaphore, #tpu.memory_space<semaphore_mem>>
      tpu.wait_indirect_dma semaphore(%dma_wait3A_180 : memref<!tpu.dma_semaphore, #tpu.memory_space<semaphore_mem>>) src(%dma_wait3A_178 : memref<1000000x64xf32, #tpu.memory_space<hbm>>) dst(%dma_wait3A_172 : memref<100x64xf32, #tpu.memory_space<vmem>>)
      %add3A_181 = arith.addi %mul3A_2, %add3A_149 : i32
      %dma_start3A_182 = arith.constant 0 : i32
      %dma_start3A_183 = arith.constant 0 : i32
      %dma_start3A_184 = arith.constant 0 : i32
      %dma_start3A_185 = arith.constant 0 : i32
      %dma_start3A_186 = tpu.memref_slice %arg6[%dma_start3A_182, %dma_start3A_184, %dma_start3A_185] : memref<4x200x64xf32, #tpu.memory_space<vmem>> -> memref<1x200x64xf32, #tpu.memory_space<vmem>>
      %dma_start3A_187 = tpu.memref_squeeze %dma_start3A_186 : memref<1x200x64xf32, #tpu.memory_space<vmem>> -> memref<200x64xf32, #tpu.memory_space<vmem>>
      %dma_start3A_188 = arith.constant 0 : i32
      %dma_start3A_189 = arith.constant 0 : i32
      %dma_start3A_190 = tpu.memref_slice %arg4[%add3A_181, %dma_start3A_188, %dma_start3A_189] : memref<4096x200x64xf32, #tpu.memory_space<hbm>> -> memref<1x200x64xf32, #tpu.memory_space<hbm>>
      %dma_start3A_191 = tpu.memref_squeeze %dma_start3A_190 : memref<1x200x64xf32, #tpu.memory_space<hbm>> -> memref<200x64xf32, #tpu.memory_space<hbm>>
      %dma_start3A_192 = tpu.memref_slice %arg8[%dma_start3A_183] : memref<4x!tpu.dma_semaphore, #tpu.memory_space<semaphore_mem>> -> memref<1x!tpu.dma_semaphore, #tpu.memory_space<semaphore_mem>>
      %dma_start3A_193 = tpu.memref_squeeze %dma_start3A_192 : memref<1x!tpu.dma_semaphore, #tpu.memory_space<semaphore_mem>> -> memref<!tpu.dma_semaphore, #tpu.memory_space<semaphore_mem>>
      %dma_start3A_194 = arith.constant 0 : i32
      %dma_start3A_195 = arith.constant 0 : i32
      %dma_start3A_196 = tpu.memref_slice %arg4[%add3A_181, %dma_start3A_194, %dma_start3A_195] : memref<4096x200x64xf32, #tpu.memory_space<hbm>> -> memref<1x200x64xf32, #tpu.memory_space<hbm>>
      %dma_start3A_197 = tpu.memref_squeeze %dma_start3A_196 : memref<1x200x64xf32, #tpu.memory_space<hbm>> -> memref<200x64xf32, #tpu.memory_space<hbm>>
      %dma_start3A_198 = arith.constant 0 : i32
      %dma_start3A_199 = arith.constant 0 : i32
      %dma_start3A_200 = tpu.memref_slice %arg6[%dma_start3A_182, %dma_start3A_198, %dma_start3A_199] : memref<4x200x64xf32, #tpu.memory_space<vmem>> -> memref<1x200x64xf32, #tpu.memory_space<vmem>>
      %dma_start3A_201 = tpu.memref_squeeze %dma_start3A_200 : memref<1x200x64xf32, #tpu.memory_space<vmem>> -> memref<200x64xf32, #tpu.memory_space<vmem>>
      tpu.enqueue_dma source(%dma_start3A_201 : memref<200x64xf32, #tpu.memory_space<vmem>>) target(%dma_start3A_197 : memref<200x64xf32, #tpu.memory_space<hbm>>) target_semaphore(%dma_start3A_193 : memref<!tpu.dma_semaphore, #tpu.memory_space<semaphore_mem>>)
      %add3A_202 = arith.addi %mul3A_2, %add3A_149 : i32
      %dma_wait3A_203 = arith.constant 0 : i32
      %dma_wait3A_204 = arith.constant 0 : i32
      %dma_wait3A_205 = arith.constant 0 : i32
      %dma_wait3A_206 = arith.constant 0 : i32
      %dma_wait3A_207 = tpu.memref_slice %arg6[%dma_wait3A_203, %dma_wait3A_205, %dma_wait3A_206] : memref<4x200x64xf32, #tpu.memory_space<vmem>> -> memref<1x200x64xf32, #tpu.memory_space<vmem>>
      %dma_wait3A_208 = tpu.memref_squeeze %dma_wait3A_207 : memref<1x200x64xf32, #tpu.memory_space<vmem>> -> memref<200x64xf32, #tpu.memory_space<vmem>>
      %dma_wait3A_209 = arith.constant 0 : i32
      %dma_wait3A_210 = arith.constant 0 : i32
      %dma_wait3A_211 = tpu.memref_slice %arg4[%add3A_202, %dma_wait3A_209, %dma_wait3A_210] : memref<4096x200x64xf32, #tpu.memory_space<hbm>> -> memref<1x200x64xf32, #tpu.memory_space<hbm>>
      %dma_wait3A_212 = tpu.memref_squeeze %dma_wait3A_211 : memref<1x200x64xf32, #tpu.memory_space<hbm>> -> memref<200x64xf32, #tpu.memory_space<hbm>>
      %dma_wait3A_213 = tpu.memref_slice %arg8[%dma_wait3A_204] : memref<4x!tpu.dma_semaphore, #tpu.memory_space<semaphore_mem>> -> memref<1x!tpu.dma_semaphore, #tpu.memory_space<semaphore_mem>>
      %dma_wait3A_214 = tpu.memref_squeeze %dma_wait3A_213 : memref<1x!tpu.dma_semaphore, #tpu.memory_space<semaphore_mem>> -> memref<!tpu.dma_semaphore, #tpu.memory_space<semaphore_mem>>
      %dma_wait3A_215 = arith.constant 0 : i32
      %dma_wait3A_216 = arith.constant 0 : i32
      %dma_wait3A_217 = tpu.memref_slice %arg4[%add3A_202, %dma_wait3A_215, %dma_wait3A_216] : memref<4096x200x64xf32, #tpu.memory_space<hbm>> -> memref<1x200x64xf32, #tpu.memory_space<hbm>>
      %dma_wait3A_218 = tpu.memref_squeeze %dma_wait3A_217 : memref<1x200x64xf32, #tpu.memory_space<hbm>> -> memref<200x64xf32, #tpu.memory_space<hbm>>
      %dma_wait3A_219 = arith.constant 0 : i32
      %dma_wait3A_220 = arith.constant 0 : i32
      %dma_wait3A_221 = tpu.memref_slice %arg6[%dma_wait3A_203, %dma_wait3A_219, %dma_wait3A_220] : memref<4x200x64xf32, #tpu.memory_space<vmem>> -> memref<1x200x64xf32, #tpu.memory_space<vmem>>
      %dma_wait3A_222 = tpu.memref_squeeze %dma_wait3A_221 : memref<1x200x64xf32, #tpu.memory_space<vmem>> -> memref<200x64xf32, #tpu.memory_space<vmem>>
      tpu.wait_dma2 semaphore(%dma_wait3A_214 : memref<!tpu.dma_semaphore, #tpu.memory_space<semaphore_mem>>) src(%dma_wait3A_222 : memref<200x64xf32, #tpu.memory_space<vmem>>) dst(%dma_wait3A_218 : memref<200x64xf32, #tpu.memory_space<hbm>>)
      %add3A_223 = arith.constant 4 : i32
      %add3A_224 = arith.addi %add3A_149, %add3A_223 : i32
      %lt3A = arith.constant 128 : i32
      %lt3A_225 = arith.cmpi slt, %add3A_224, %lt3A : i32
      %convert_element_type3A = arith.extui %lt3A_225 : i1 to i32
      %cond3A = arith.constant 0 : i32
      %cond3A_226 = arith.cmpi ne, %convert_element_type3A, %cond3A : i32
      scf.if %cond3A_226 {
        %add3A_477 = arith.constant 4 : i32
        %add3A_478 = arith.addi %add3A_149, %add3A_477 : i32
        %dma_start3A_479 = arith.constant 0 : i32
        %dma_start3A_480 = arith.constant 0 : i32
        %dma_start3A_481 = arith.constant 0 : i32
        %dma_start3A_482 = arith.constant 0 : i32
        %dma_start3A_483 = arith.constant 0 : i32
        %dma_start3A_484 = arith.constant 0 : i32
        %dma_start3A_485 = tpu.memref_slice %arg6[%dma_start3A_480, %dma_start3A_483, %dma_start3A_484] : memref<4x200x64xf32, #tpu.memory_space<vmem>> -> memref<1x100x64xf32, #tpu.memory_space<vmem>>
        %dma_start3A_486 = tpu.memref_squeeze %dma_start3A_485 : memref<1x100x64xf32, #tpu.memory_space<vmem>> -> memref<100x64xf32, #tpu.memory_space<vmem>>
        %dma_start3A_487 = arith.constant 0 : i32
        %dma_start3A_488 = tpu.memref_slice %arg5[%add3A_478, %dma_start3A_479, %dma_start3A_487] : memref<128x2x100xi32, #tpu.memory_space<vmem>> -> memref<1x1x100xi32, #tpu.memory_space<vmem>>
        %dma_start3A_489 = tpu.memref_squeeze %dma_start3A_488 : memref<1x1x100xi32, #tpu.memory_space<vmem>> -> memref<100xi32, #tpu.memory_space<vmem>>
        %dma_start3A_490 = arith.constant 0 : i32
        %dma_start3A_491 = arith.constant 0 : i32
        %dma_start3A_492 = tpu.memref_slice %arg3[%dma_start3A_490, %dma_start3A_491] : memref<1000000x64xf32, #tpu.memory_space<hbm>> -> memref<1000000x64xf32, #tpu.memory_space<hbm>>
        %dma_start3A_493 = tpu.memref_slice %arg7[%dma_start3A_481, %dma_start3A_482] : memref<4x2x!tpu.dma_semaphore, #tpu.memory_space<semaphore_mem>> -> memref<1x1x!tpu.dma_semaphore, #tpu.memory_space<semaphore_mem>>
        %dma_start3A_494 = tpu.memref_squeeze %dma_start3A_493 : memref<1x1x!tpu.dma_semaphore, #tpu.memory_space<semaphore_mem>> -> memref<!tpu.dma_semaphore, #tpu.memory_space<semaphore_mem>>
        tpu.enqueue_indirect_dma source(%dma_start3A_492 : memref<1000000x64xf32, #tpu.memory_space<hbm>>) target(%dma_start3A_486 : memref<100x64xf32, #tpu.memory_space<vmem>>) offsets(%dma_start3A_489 : memref<100xi32, #tpu.memory_space<vmem>>) semaphore(%dma_start3A_494 : memref<!tpu.dma_semaphore, #tpu.memory_space<semaphore_mem>>)
        %dma_start3A_495 = arith.constant 1 : i32
        %dma_start3A_496 = arith.constant 0 : i32
        %dma_start3A_497 = arith.constant 0 : i32
        %dma_start3A_498 = arith.constant 1 : i32
        %dma_start3A_499 = arith.constant 100 : i32
        %dma_start3A_500 = arith.constant 0 : i32
        %dma_start3A_501 = tpu.memref_slice %arg6[%dma_start3A_496, %dma_start3A_499, %dma_start3A_500] : memref<4x200x64xf32, #tpu.memory_space<vmem>> -> memref<1x100x64xf32, #tpu.memory_space<vmem>>
        %dma_start3A_502 = tpu.memref_squeeze %dma_start3A_501 : memref<1x100x64xf32, #tpu.memory_space<vmem>> -> memref<100x64xf32, #tpu.memory_space<vmem>>
        %dma_start3A_503 = arith.constant 0 : i32
        %dma_start3A_504 = tpu.memref_slice %arg5[%add3A_478, %dma_start3A_495, %dma_start3A_503] : memref<128x2x100xi32, #tpu.memory_space<vmem>> -> memref<1x1x100xi32, #tpu.memory_space<vmem>>
        %dma_start3A_505 = tpu.memref_squeeze %dma_start3A_504 : memref<1x1x100xi32, #tpu.memory_space<vmem>> -> memref<100xi32, #tpu.memory_space<vmem>>
        %dma_start3A_506 = arith.constant 0 : i32
        %dma_start3A_507 = arith.constant 0 : i32
        %dma_start3A_508 = tpu.memref_slice %arg3[%dma_start3A_506, %dma_start3A_507] : memref<1000000x64xf32, #tpu.memory_space<hbm>> -> memref<1000000x64xf32, #tpu.memory_space<hbm>>
        %dma_start3A_509 = tpu.memref_slice %arg7[%dma_start3A_497, %dma_start3A_498] : memref<4x2x!tpu.dma_semaphore, #tpu.memory_space<semaphore_mem>> -> memref<1x1x!tpu.dma_semaphore, #tpu.memory_space<semaphore_mem>>
        %dma_start3A_510 = tpu.memref_squeeze %dma_start3A_509 : memref<1x1x!tpu.dma_semaphore, #tpu.memory_space<semaphore_mem>> -> memref<!tpu.dma_semaphore, #tpu.memory_space<semaphore_mem>>
        tpu.enqueue_indirect_dma source(%dma_start3A_508 : memref<1000000x64xf32, #tpu.memory_space<hbm>>) target(%dma_start3A_502 : memref<100x64xf32, #tpu.memory_space<vmem>>) offsets(%dma_start3A_505 : memref<100xi32, #tpu.memory_space<vmem>>) semaphore(%dma_start3A_510 : memref<!tpu.dma_semaphore, #tpu.memory_space<semaphore_mem>>)
      } else {
      }
      %add3A_227 = arith.constant 1 : i32
      %add3A_228 = arith.addi %mul3A_147, %add3A_227 : i32
      %dma_wait3A_229 = arith.constant 0 : i32
      %dma_wait3A_230 = arith.constant 1 : i32
      %dma_wait3A_231 = arith.constant 1 : i32
      %dma_wait3A_232 = arith.constant 0 : i32
      %dma_wait3A_233 = arith.constant 0 : i32
      %dma_wait3A_234 = arith.constant 0 : i32
      %dma_wait3A_235 = tpu.memref_slice %arg6[%dma_wait3A_230, %dma_wait3A_233, %dma_wait3A_234] : memref<4x200x64xf32, #tpu.memory_space<vmem>> -> memref<1x100x64xf32, #tpu.memory_space<vmem>>
      %dma_wait3A_236 = tpu.memref_squeeze %dma_wait3A_235 : memref<1x100x64xf32, #tpu.memory_space<vmem>> -> memref<100x64xf32, #tpu.memory_space<vmem>>
      %dma_wait3A_237 = arith.constant 0 : i32
      %dma_wait3A_238 = tpu.memref_slice %arg5[%add3A_228, %dma_wait3A_229, %dma_wait3A_237] : memref<128x2x100xi32, #tpu.memory_space<vmem>> -> memref<1x1x100xi32, #tpu.memory_space<vmem>>
      %dma_wait3A_239 = tpu.memref_squeeze %dma_wait3A_238 : memref<1x1x100xi32, #tpu.memory_space<vmem>> -> memref<100xi32, #tpu.memory_space<vmem>>
      %dma_wait3A_240 = arith.constant 0 : i32
      %dma_wait3A_241 = arith.constant 0 : i32
      %dma_wait3A_242 = tpu.memref_slice %arg3[%dma_wait3A_240, %dma_wait3A_241] : memref<1000000x64xf32, #tpu.memory_space<hbm>> -> memref<1000000x64xf32, #tpu.memory_space<hbm>>
      %dma_wait3A_243 = tpu.memref_slice %arg7[%dma_wait3A_231, %dma_wait3A_232] : memref<4x2x!tpu.dma_semaphore, #tpu.memory_space<semaphore_mem>> -> memref<1x1x!tpu.dma_semaphore, #tpu.memory_space<semaphore_mem>>
      %dma_wait3A_244 = tpu.memref_squeeze %dma_wait3A_243 : memref<1x1x!tpu.dma_semaphore, #tpu.memory_space<semaphore_mem>> -> memref<!tpu.dma_semaphore, #tpu.memory_space<semaphore_mem>>
      tpu.wait_indirect_dma semaphore(%dma_wait3A_244 : memref<!tpu.dma_semaphore, #tpu.memory_space<semaphore_mem>>) src(%dma_wait3A_242 : memref<1000000x64xf32, #tpu.memory_space<hbm>>) dst(%dma_wait3A_236 : memref<100x64xf32, #tpu.memory_space<vmem>>)
      %dma_wait3A_245 = arith.constant 1 : i32
      %dma_wait3A_246 = arith.constant 1 : i32
      %dma_wait3A_247 = arith.constant 1 : i32
      %dma_wait3A_248 = arith.constant 1 : i32
      %dma_wait3A_249 = arith.constant 100 : i32
      %dma_wait3A_250 = arith.constant 0 : i32
      %dma_wait3A_251 = tpu.memref_slice %arg6[%dma_wait3A_246, %dma_wait3A_249, %dma_wait3A_250] : memref<4x200x64xf32, #tpu.memory_space<vmem>> -> memref<1x100x64xf32, #tpu.memory_space<vmem>>
      %dma_wait3A_252 = tpu.memref_squeeze %dma_wait3A_251 : memref<1x100x64xf32, #tpu.memory_space<vmem>> -> memref<100x64xf32, #tpu.memory_space<vmem>>
      %dma_wait3A_253 = arith.constant 0 : i32
      %dma_wait3A_254 = tpu.memref_slice %arg5[%add3A_228, %dma_wait3A_245, %dma_wait3A_253] : memref<128x2x100xi32, #tpu.memory_space<vmem>> -> memref<1x1x100xi32, #tpu.memory_space<vmem>>
      %dma_wait3A_255 = tpu.memref_squeeze %dma_wait3A_254 : memref<1x1x100xi32, #tpu.memory_space<vmem>> -> memref<100xi32, #tpu.memory_space<vmem>>
      %dma_wait3A_256 = arith.constant 0 : i32
      %dma_wait3A_257 = arith.constant 0 : i32
      %dma_wait3A_258 = tpu.memref_slice %arg3[%dma_wait3A_256, %dma_wait3A_257] : memref<1000000x64xf32, #tpu.memory_space<hbm>> -> memref<1000000x64xf32, #tpu.memory_space<hbm>>
      %dma_wait3A_259 = tpu.memref_slice %arg7[%dma_wait3A_247, %dma_wait3A_248] : memref<4x2x!tpu.dma_semaphore, #tpu.memory_space<semaphore_mem>> -> memref<1x1x!tpu.dma_semaphore, #tpu.memory_space<semaphore_mem>>
      %dma_wait3A_260 = tpu.memref_squeeze %dma_wait3A_259 : memref<1x1x!tpu.dma_semaphore, #tpu.memory_space<semaphore_mem>> -> memref<!tpu.dma_semaphore, #tpu.memory_space<semaphore_mem>>
      tpu.wait_indirect_dma semaphore(%dma_wait3A_260 : memref<!tpu.dma_semaphore, #tpu.memory_space<semaphore_mem>>) src(%dma_wait3A_258 : memref<1000000x64xf32, #tpu.memory_space<hbm>>) dst(%dma_wait3A_252 : memref<100x64xf32, #tpu.memory_space<vmem>>)
      %add3A_261 = arith.addi %mul3A_2, %add3A_228 : i32
      %dma_start3A_262 = arith.constant 1 : i32
      %dma_start3A_263 = arith.constant 1 : i32
      %dma_start3A_264 = arith.constant 0 : i32
      %dma_start3A_265 = arith.constant 0 : i32
      %dma_start3A_266 = tpu.memref_slice %arg6[%dma_start3A_262, %dma_start3A_264, %dma_start3A_265] : memref<4x200x64xf32, #tpu.memory_space<vmem>> -> memref<1x200x64xf32, #tpu.memory_space<vmem>>
      %dma_start3A_267 = tpu.memref_squeeze %dma_start3A_266 : memref<1x200x64xf32, #tpu.memory_space<vmem>> -> memref<200x64xf32, #tpu.memory_space<vmem>>
      %dma_start3A_268 = arith.constant 0 : i32
      %dma_start3A_269 = arith.constant 0 : i32
      %dma_start3A_270 = tpu.memref_slice %arg4[%add3A_261, %dma_start3A_268, %dma_start3A_269] : memref<4096x200x64xf32, #tpu.memory_space<hbm>> -> memref<1x200x64xf32, #tpu.memory_space<hbm>>
      %dma_start3A_271 = tpu.memref_squeeze %dma_start3A_270 : memref<1x200x64xf32, #tpu.memory_space<hbm>> -> memref<200x64xf32, #tpu.memory_space<hbm>>
      %dma_start3A_272 = tpu.memref_slice %arg8[%dma_start3A_263] : memref<4x!tpu.dma_semaphore, #tpu.memory_space<semaphore_mem>> -> memref<1x!tpu.dma_semaphore, #tpu.memory_space<semaphore_mem>>
      %dma_start3A_273 = tpu.memref_squeeze %dma_start3A_272 : memref<1x!tpu.dma_semaphore, #tpu.memory_space<semaphore_mem>> -> memref<!tpu.dma_semaphore, #tpu.memory_space<semaphore_mem>>
      %dma_start3A_274 = arith.constant 0 : i32
      %dma_start3A_275 = arith.constant 0 : i32
      %dma_start3A_276 = tpu.memref_slice %arg4[%add3A_261, %dma_start3A_274, %dma_start3A_275] : memref<4096x200x64xf32, #tpu.memory_space<hbm>> -> memref<1x200x64xf32, #tpu.memory_space<hbm>>
      %dma_start3A_277 = tpu.memref_squeeze %dma_start3A_276 : memref<1x200x64xf32, #tpu.memory_space<hbm>> -> memref<200x64xf32, #tpu.memory_space<hbm>>
      %dma_start3A_278 = arith.constant 0 : i32
      %dma_start3A_279 = arith.constant 0 : i32
      %dma_start3A_280 = tpu.memref_slice %arg6[%dma_start3A_262, %dma_start3A_278, %dma_start3A_279] : memref<4x200x64xf32, #tpu.memory_space<vmem>> -> memref<1x200x64xf32, #tpu.memory_space<vmem>>
      %dma_start3A_281 = tpu.memref_squeeze %dma_start3A_280 : memref<1x200x64xf32, #tpu.memory_space<vmem>> -> memref<200x64xf32, #tpu.memory_space<vmem>>
      tpu.enqueue_dma source(%dma_start3A_281 : memref<200x64xf32, #tpu.memory_space<vmem>>) target(%dma_start3A_277 : memref<200x64xf32, #tpu.memory_space<hbm>>) target_semaphore(%dma_start3A_273 : memref<!tpu.dma_semaphore, #tpu.memory_space<semaphore_mem>>)
      %add3A_282 = arith.addi %mul3A_2, %add3A_228 : i32
      %dma_wait3A_283 = arith.constant 1 : i32
      %dma_wait3A_284 = arith.constant 1 : i32
      %dma_wait3A_285 = arith.constant 0 : i32
      %dma_wait3A_286 = arith.constant 0 : i32
      %dma_wait3A_287 = tpu.memref_slice %arg6[%dma_wait3A_283, %dma_wait3A_285, %dma_wait3A_286] : memref<4x200x64xf32, #tpu.memory_space<vmem>> -> memref<1x200x64xf32, #tpu.memory_space<vmem>>
      %dma_wait3A_288 = tpu.memref_squeeze %dma_wait3A_287 : memref<1x200x64xf32, #tpu.memory_space<vmem>> -> memref<200x64xf32, #tpu.memory_space<vmem>>
      %dma_wait3A_289 = arith.constant 0 : i32
      %dma_wait3A_290 = arith.constant 0 : i32
      %dma_wait3A_291 = tpu.memref_slice %arg4[%add3A_282, %dma_wait3A_289, %dma_wait3A_290] : memref<4096x200x64xf32, #tpu.memory_space<hbm>> -> memref<1x200x64xf32, #tpu.memory_space<hbm>>
      %dma_wait3A_292 = tpu.memref_squeeze %dma_wait3A_291 : memref<1x200x64xf32, #tpu.memory_space<hbm>> -> memref<200x64xf32, #tpu.memory_space<hbm>>
      %dma_wait3A_293 = tpu.memref_slice %arg8[%dma_wait3A_284] : memref<4x!tpu.dma_semaphore, #tpu.memory_space<semaphore_mem>> -> memref<1x!tpu.dma_semaphore, #tpu.memory_space<semaphore_mem>>
      %dma_wait3A_294 = tpu.memref_squeeze %dma_wait3A_293 : memref<1x!tpu.dma_semaphore, #tpu.memory_space<semaphore_mem>> -> memref<!tpu.dma_semaphore, #tpu.memory_space<semaphore_mem>>
      %dma_wait3A_295 = arith.constant 0 : i32
      %dma_wait3A_296 = arith.constant 0 : i32
      %dma_wait3A_297 = tpu.memref_slice %arg4[%add3A_282, %dma_wait3A_295, %dma_wait3A_296] : memref<4096x200x64xf32, #tpu.memory_space<hbm>> -> memref<1x200x64xf32, #tpu.memory_space<hbm>>
      %dma_wait3A_298 = tpu.memref_squeeze %dma_wait3A_297 : memref<1x200x64xf32, #tpu.memory_space<hbm>> -> memref<200x64xf32, #tpu.memory_space<hbm>>
      %dma_wait3A_299 = arith.constant 0 : i32
      %dma_wait3A_300 = arith.constant 0 : i32
      %dma_wait3A_301 = tpu.memref_slice %arg6[%dma_wait3A_283, %dma_wait3A_299, %dma_wait3A_300] : memref<4x200x64xf32, #tpu.memory_space<vmem>> -> memref<1x200x64xf32, #tpu.memory_space<vmem>>
      %dma_wait3A_302 = tpu.memref_squeeze %dma_wait3A_301 : memref<1x200x64xf32, #tpu.memory_space<vmem>> -> memref<200x64xf32, #tpu.memory_space<vmem>>
      tpu.wait_dma2 semaphore(%dma_wait3A_294 : memref<!tpu.dma_semaphore, #tpu.memory_space<semaphore_mem>>) src(%dma_wait3A_302 : memref<200x64xf32, #tpu.memory_space<vmem>>) dst(%dma_wait3A_298 : memref<200x64xf32, #tpu.memory_space<hbm>>)
      %add3A_303 = arith.constant 4 : i32
      %add3A_304 = arith.addi %add3A_228, %add3A_303 : i32
      %lt3A_305 = arith.constant 128 : i32
      %lt3A_306 = arith.cmpi slt, %add3A_304, %lt3A_305 : i32
      %convert_element_type3A_307 = arith.extui %lt3A_306 : i1 to i32
      %cond3A_308 = arith.constant 0 : i32
      %cond3A_309 = arith.cmpi ne, %convert_element_type3A_307, %cond3A_308 : i32
      scf.if %cond3A_309 {
        %add3A_477 = arith.constant 4 : i32
        %add3A_478 = arith.addi %add3A_228, %add3A_477 : i32
        %dma_start3A_479 = arith.constant 0 : i32
        %dma_start3A_480 = arith.constant 1 : i32
        %dma_start3A_481 = arith.constant 1 : i32
        %dma_start3A_482 = arith.constant 0 : i32
        %dma_start3A_483 = arith.constant 0 : i32
        %dma_start3A_484 = arith.constant 0 : i32
        %dma_start3A_485 = tpu.memref_slice %arg6[%dma_start3A_480, %dma_start3A_483, %dma_start3A_484] : memref<4x200x64xf32, #tpu.memory_space<vmem>> -> memref<1x100x64xf32, #tpu.memory_space<vmem>>
        %dma_start3A_486 = tpu.memref_squeeze %dma_start3A_485 : memref<1x100x64xf32, #tpu.memory_space<vmem>> -> memref<100x64xf32, #tpu.memory_space<vmem>>
        %dma_start3A_487 = arith.constant 0 : i32
        %dma_start3A_488 = tpu.memref_slice %arg5[%add3A_478, %dma_start3A_479, %dma_start3A_487] : memref<128x2x100xi32, #tpu.memory_space<vmem>> -> memref<1x1x100xi32, #tpu.memory_space<vmem>>
        %dma_start3A_489 = tpu.memref_squeeze %dma_start3A_488 : memref<1x1x100xi32, #tpu.memory_space<vmem>> -> memref<100xi32, #tpu.memory_space<vmem>>
        %dma_start3A_490 = arith.constant 0 : i32
        %dma_start3A_491 = arith.constant 0 : i32
        %dma_start3A_492 = tpu.memref_slice %arg3[%dma_start3A_490, %dma_start3A_491] : memref<1000000x64xf32, #tpu.memory_space<hbm>> -> memref<1000000x64xf32, #tpu.memory_space<hbm>>
        %dma_start3A_493 = tpu.memref_slice %arg7[%dma_start3A_481, %dma_start3A_482] : memref<4x2x!tpu.dma_semaphore, #tpu.memory_space<semaphore_mem>> -> memref<1x1x!tpu.dma_semaphore, #tpu.memory_space<semaphore_mem>>
        %dma_start3A_494 = tpu.memref_squeeze %dma_start3A_493 : memref<1x1x!tpu.dma_semaphore, #tpu.memory_space<semaphore_mem>> -> memref<!tpu.dma_semaphore, #tpu.memory_space<semaphore_mem>>
        tpu.enqueue_indirect_dma source(%dma_start3A_492 : memref<1000000x64xf32, #tpu.memory_space<hbm>>) target(%dma_start3A_486 : memref<100x64xf32, #tpu.memory_space<vmem>>) offsets(%dma_start3A_489 : memref<100xi32, #tpu.memory_space<vmem>>) semaphore(%dma_start3A_494 : memref<!tpu.dma_semaphore, #tpu.memory_space<semaphore_mem>>)
        %dma_start3A_495 = arith.constant 1 : i32
        %dma_start3A_496 = arith.constant 1 : i32
        %dma_start3A_497 = arith.constant 1 : i32
        %dma_start3A_498 = arith.constant 1 : i32
        %dma_start3A_499 = arith.constant 100 : i32
        %dma_start3A_500 = arith.constant 0 : i32
        %dma_start3A_501 = tpu.memref_slice %arg6[%dma_start3A_496, %dma_start3A_499, %dma_start3A_500] : memref<4x200x64xf32, #tpu.memory_space<vmem>> -> memref<1x100x64xf32, #tpu.memory_space<vmem>>
        %dma_start3A_502 = tpu.memref_squeeze %dma_start3A_501 : memref<1x100x64xf32, #tpu.memory_space<vmem>> -> memref<100x64xf32, #tpu.memory_space<vmem>>
        %dma_start3A_503 = arith.constant 0 : i32
        %dma_start3A_504 = tpu.memref_slice %arg5[%add3A_478, %dma_start3A_495, %dma_start3A_503] : memref<128x2x100xi32, #tpu.memory_space<vmem>> -> memref<1x1x100xi32, #tpu.memory_space<vmem>>
        %dma_start3A_505 = tpu.memref_squeeze %dma_start3A_504 : memref<1x1x100xi32, #tpu.memory_space<vmem>> -> memref<100xi32, #tpu.memory_space<vmem>>
        %dma_start3A_506 = arith.constant 0 : i32
        %dma_start3A_507 = arith.constant 0 : i32
        %dma_start3A_508 = tpu.memref_slice %arg3[%dma_start3A_506, %dma_start3A_507] : memref<1000000x64xf32, #tpu.memory_space<hbm>> -> memref<1000000x64xf32, #tpu.memory_space<hbm>>
        %dma_start3A_509 = tpu.memref_slice %arg7[%dma_start3A_497, %dma_start3A_498] : memref<4x2x!tpu.dma_semaphore, #tpu.memory_space<semaphore_mem>> -> memref<1x1x!tpu.dma_semaphore, #tpu.memory_space<semaphore_mem>>
        %dma_start3A_510 = tpu.memref_squeeze %dma_start3A_509 : memref<1x1x!tpu.dma_semaphore, #tpu.memory_space<semaphore_mem>> -> memref<!tpu.dma_semaphore, #tpu.memory_space<semaphore_mem>>
        tpu.enqueue_indirect_dma source(%dma_start3A_508 : memref<1000000x64xf32, #tpu.memory_space<hbm>>) target(%dma_start3A_502 : memref<100x64xf32, #tpu.memory_space<vmem>>) offsets(%dma_start3A_505 : memref<100xi32, #tpu.memory_space<vmem>>) semaphore(%dma_start3A_510 : memref<!tpu.dma_semaphore, #tpu.memory_space<semaphore_mem>>)
      } else {
      }
      %add3A_310 = arith.constant 2 : i32
      %add3A_311 = arith.addi %mul3A_147, %add3A_310 : i32
      %dma_wait3A_312 = arith.constant 0 : i32
      %dma_wait3A_313 = arith.constant 2 : i32
      %dma_wait3A_314 = arith.constant 2 : i32
      %dma_wait3A_315 = arith.constant 0 : i32
      %dma_wait3A_316 = arith.constant 0 : i32
      %dma_wait3A_317 = arith.constant 0 : i32
      %dma_wait3A_318 = tpu.memref_slice %arg6[%dma_wait3A_313, %dma_wait3A_316, %dma_wait3A_317] : memref<4x200x64xf32, #tpu.memory_space<vmem>> -> memref<1x100x64xf32, #tpu.memory_space<vmem>>
      %dma_wait3A_319 = tpu.memref_squeeze %dma_wait3A_318 : memref<1x100x64xf32, #tpu.memory_space<vmem>> -> memref<100x64xf32, #tpu.memory_space<vmem>>
      %dma_wait3A_320 = arith.constant 0 : i32
      %dma_wait3A_321 = tpu.memref_slice %arg5[%add3A_311, %dma_wait3A_312, %dma_wait3A_320] : memref<128x2x100xi32, #tpu.memory_space<vmem>> -> memref<1x1x100xi32, #tpu.memory_space<vmem>>
      %dma_wait3A_322 = tpu.memref_squeeze %dma_wait3A_321 : memref<1x1x100xi32, #tpu.memory_space<vmem>> -> memref<100xi32, #tpu.memory_space<vmem>>
      %dma_wait3A_323 = arith.constant 0 : i32
      %dma_wait3A_324 = arith.constant 0 : i32
      %dma_wait3A_325 = tpu.memref_slice %arg3[%dma_wait3A_323, %dma_wait3A_324] : memref<1000000x64xf32, #tpu.memory_space<hbm>> -> memref<1000000x64xf32, #tpu.memory_space<hbm>>
      %dma_wait3A_326 = tpu.memref_slice %arg7[%dma_wait3A_314, %dma_wait3A_315] : memref<4x2x!tpu.dma_semaphore, #tpu.memory_space<semaphore_mem>> -> memref<1x1x!tpu.dma_semaphore, #tpu.memory_space<semaphore_mem>>
      %dma_wait3A_327 = tpu.memref_squeeze %dma_wait3A_326 : memref<1x1x!tpu.dma_semaphore, #tpu.memory_space<semaphore_mem>> -> memref<!tpu.dma_semaphore, #tpu.memory_space<semaphore_mem>>
      tpu.wait_indirect_dma semaphore(%dma_wait3A_327 : memref<!tpu.dma_semaphore, #tpu.memory_space<semaphore_mem>>) src(%dma_wait3A_325 : memref<1000000x64xf32, #tpu.memory_space<hbm>>) dst(%dma_wait3A_319 : memref<100x64xf32, #tpu.memory_space<vmem>>)
      %dma_wait3A_328 = arith.constant 1 : i32
      %dma_wait3A_329 = arith.constant 2 : i32
      %dma_wait3A_330 = arith.constant 2 : i32
      %dma_wait3A_331 = arith.constant 1 : i32
      %dma_wait3A_332 = arith.constant 100 : i32
      %dma_wait3A_333 = arith.constant 0 : i32
      %dma_wait3A_334 = tpu.memref_slice %arg6[%dma_wait3A_329, %dma_wait3A_332, %dma_wait3A_333] : memref<4x200x64xf32, #tpu.memory_space<vmem>> -> memref<1x100x64xf32, #tpu.memory_space<vmem>>
      %dma_wait3A_335 = tpu.memref_squeeze %dma_wait3A_334 : memref<1x100x64xf32, #tpu.memory_space<vmem>> -> memref<100x64xf32, #tpu.memory_space<vmem>>
      %dma_wait3A_336 = arith.constant 0 : i32
      %dma_wait3A_337 = tpu.memref_slice %arg5[%add3A_311, %dma_wait3A_328, %dma_wait3A_336] : memref<128x2x100xi32, #tpu.memory_space<vmem>> -> memref<1x1x100xi32, #tpu.memory_space<vmem>>
      %dma_wait3A_338 = tpu.memref_squeeze %dma_wait3A_337 : memref<1x1x100xi32, #tpu.memory_space<vmem>> -> memref<100xi32, #tpu.memory_space<vmem>>
      %dma_wait3A_339 = arith.constant 0 : i32
      %dma_wait3A_340 = arith.constant 0 : i32
      %dma_wait3A_341 = tpu.memref_slice %arg3[%dma_wait3A_339, %dma_wait3A_340] : memref<1000000x64xf32, #tpu.memory_space<hbm>> -> memref<1000000x64xf32, #tpu.memory_space<hbm>>
      %dma_wait3A_342 = tpu.memref_slice %arg7[%dma_wait3A_330, %dma_wait3A_331] : memref<4x2x!tpu.dma_semaphore, #tpu.memory_space<semaphore_mem>> -> memref<1x1x!tpu.dma_semaphore, #tpu.memory_space<semaphore_mem>>
      %dma_wait3A_343 = tpu.memref_squeeze %dma_wait3A_342 : memref<1x1x!tpu.dma_semaphore, #tpu.memory_space<semaphore_mem>> -> memref<!tpu.dma_semaphore, #tpu.memory_space<semaphore_mem>>
      tpu.wait_indirect_dma semaphore(%dma_wait3A_343 : memref<!tpu.dma_semaphore, #tpu.memory_space<semaphore_mem>>) src(%dma_wait3A_341 : memref<1000000x64xf32, #tpu.memory_space<hbm>>) dst(%dma_wait3A_335 : memref<100x64xf32, #tpu.memory_space<vmem>>)
      %add3A_344 = arith.addi %mul3A_2, %add3A_311 : i32
      %dma_start3A_345 = arith.constant 2 : i32
      %dma_start3A_346 = arith.constant 2 : i32
      %dma_start3A_347 = arith.constant 0 : i32
      %dma_start3A_348 = arith.constant 0 : i32
      %dma_start3A_349 = tpu.memref_slice %arg6[%dma_start3A_345, %dma_start3A_347, %dma_start3A_348] : memref<4x200x64xf32, #tpu.memory_space<vmem>> -> memref<1x200x64xf32, #tpu.memory_space<vmem>>
      %dma_start3A_350 = tpu.memref_squeeze %dma_start3A_349 : memref<1x200x64xf32, #tpu.memory_space<vmem>> -> memref<200x64xf32, #tpu.memory_space<vmem>>
      %dma_start3A_351 = arith.constant 0 : i32
      %dma_start3A_352 = arith.constant 0 : i32
      %dma_start3A_353 = tpu.memref_slice %arg4[%add3A_344, %dma_start3A_351, %dma_start3A_352] : memref<4096x200x64xf32, #tpu.memory_space<hbm>> -> memref<1x200x64xf32, #tpu.memory_space<hbm>>
      %dma_start3A_354 = tpu.memref_squeeze %dma_start3A_353 : memref<1x200x64xf32, #tpu.memory_space<hbm>> -> memref<200x64xf32, #tpu.memory_space<hbm>>
      %dma_start3A_355 = tpu.memref_slice %arg8[%dma_start3A_346] : memref<4x!tpu.dma_semaphore, #tpu.memory_space<semaphore_mem>> -> memref<1x!tpu.dma_semaphore, #tpu.memory_space<semaphore_mem>>
      %dma_start3A_356 = tpu.memref_squeeze %dma_start3A_355 : memref<1x!tpu.dma_semaphore, #tpu.memory_space<semaphore_mem>> -> memref<!tpu.dma_semaphore, #tpu.memory_space<semaphore_mem>>
      %dma_start3A_357 = arith.constant 0 : i32
      %dma_start3A_358 = arith.constant 0 : i32
      %dma_start3A_359 = tpu.memref_slice %arg4[%add3A_344, %dma_start3A_357, %dma_start3A_358] : memref<4096x200x64xf32, #tpu.memory_space<hbm>> -> memref<1x200x64xf32, #tpu.memory_space<hbm>>
      %dma_start3A_360 = tpu.memref_squeeze %dma_start3A_359 : memref<1x200x64xf32, #tpu.memory_space<hbm>> -> memref<200x64xf32, #tpu.memory_space<hbm>>
      %dma_start3A_361 = arith.constant 0 : i32
      %dma_start3A_362 = arith.constant 0 : i32
      %dma_start3A_363 = tpu.memref_slice %arg6[%dma_start3A_345, %dma_start3A_361, %dma_start3A_362] : memref<4x200x64xf32, #tpu.memory_space<vmem>> -> memref<1x200x64xf32, #tpu.memory_space<vmem>>
      %dma_start3A_364 = tpu.memref_squeeze %dma_start3A_363 : memref<1x200x64xf32, #tpu.memory_space<vmem>> -> memref<200x64xf32, #tpu.memory_space<vmem>>
      tpu.enqueue_dma source(%dma_start3A_364 : memref<200x64xf32, #tpu.memory_space<vmem>>) target(%dma_start3A_360 : memref<200x64xf32, #tpu.memory_space<hbm>>) target_semaphore(%dma_start3A_356 : memref<!tpu.dma_semaphore, #tpu.memory_space<semaphore_mem>>)
      %add3A_365 = arith.addi %mul3A_2, %add3A_311 : i32
      %dma_wait3A_366 = arith.constant 2 : i32
      %dma_wait3A_367 = arith.constant 2 : i32
      %dma_wait3A_368 = arith.constant 0 : i32
      %dma_wait3A_369 = arith.constant 0 : i32
      %dma_wait3A_370 = tpu.memref_slice %arg6[%dma_wait3A_366, %dma_wait3A_368, %dma_wait3A_369] : memref<4x200x64xf32, #tpu.memory_space<vmem>> -> memref<1x200x64xf32, #tpu.memory_space<vmem>>
      %dma_wait3A_371 = tpu.memref_squeeze %dma_wait3A_370 : memref<1x200x64xf32, #tpu.memory_space<vmem>> -> memref<200x64xf32, #tpu.memory_space<vmem>>
      %dma_wait3A_372 = arith.constant 0 : i32
      %dma_wait3A_373 = arith.constant 0 : i32
      %dma_wait3A_374 = tpu.memref_slice %arg4[%add3A_365, %dma_wait3A_372, %dma_wait3A_373] : memref<4096x200x64xf32, #tpu.memory_space<hbm>> -> memref<1x200x64xf32, #tpu.memory_space<hbm>>
      %dma_wait3A_375 = tpu.memref_squeeze %dma_wait3A_374 : memref<1x200x64xf32, #tpu.memory_space<hbm>> -> memref<200x64xf32, #tpu.memory_space<hbm>>
      %dma_wait3A_376 = tpu.memref_slice %arg8[%dma_wait3A_367] : memref<4x!tpu.dma_semaphore, #tpu.memory_space<semaphore_mem>> -> memref<1x!tpu.dma_semaphore, #tpu.memory_space<semaphore_mem>>
      %dma_wait3A_377 = tpu.memref_squeeze %dma_wait3A_376 : memref<1x!tpu.dma_semaphore, #tpu.memory_space<semaphore_mem>> -> memref<!tpu.dma_semaphore, #tpu.memory_space<semaphore_mem>>
      %dma_wait3A_378 = arith.constant 0 : i32
      %dma_wait3A_379 = arith.constant 0 : i32
      %dma_wait3A_380 = tpu.memref_slice %arg4[%add3A_365, %dma_wait3A_378, %dma_wait3A_379] : memref<4096x200x64xf32, #tpu.memory_space<hbm>> -> memref<1x200x64xf32, #tpu.memory_space<hbm>>
      %dma_wait3A_381 = tpu.memref_squeeze %dma_wait3A_380 : memref<1x200x64xf32, #tpu.memory_space<hbm>> -> memref<200x64xf32, #tpu.memory_space<hbm>>
      %dma_wait3A_382 = arith.constant 0 : i32
      %dma_wait3A_383 = arith.constant 0 : i32
      %dma_wait3A_384 = tpu.memref_slice %arg6[%dma_wait3A_366, %dma_wait3A_382, %dma_wait3A_383] : memref<4x200x64xf32, #tpu.memory_space<vmem>> -> memref<1x200x64xf32, #tpu.memory_space<vmem>>
      %dma_wait3A_385 = tpu.memref_squeeze %dma_wait3A_384 : memref<1x200x64xf32, #tpu.memory_space<vmem>> -> memref<200x64xf32, #tpu.memory_space<vmem>>
      tpu.wait_dma2 semaphore(%dma_wait3A_377 : memref<!tpu.dma_semaphore, #tpu.memory_space<semaphore_mem>>) src(%dma_wait3A_385 : memref<200x64xf32, #tpu.memory_space<vmem>>) dst(%dma_wait3A_381 : memref<200x64xf32, #tpu.memory_space<hbm>>)
      %add3A_386 = arith.constant 4 : i32
      %add3A_387 = arith.addi %add3A_311, %add3A_386 : i32
      %lt3A_388 = arith.constant 128 : i32
      %lt3A_389 = arith.cmpi slt, %add3A_387, %lt3A_388 : i32
      %convert_element_type3A_390 = arith.extui %lt3A_389 : i1 to i32
      %cond3A_391 = arith.constant 0 : i32
      %cond3A_392 = arith.cmpi ne, %convert_element_type3A_390, %cond3A_391 : i32
      scf.if %cond3A_392 {
        %add3A_477 = arith.constant 4 : i32
        %add3A_478 = arith.addi %add3A_311, %add3A_477 : i32
        %dma_start3A_479 = arith.constant 0 : i32
        %dma_start3A_480 = arith.constant 2 : i32
        %dma_start3A_481 = arith.constant 2 : i32
        %dma_start3A_482 = arith.constant 0 : i32
        %dma_start3A_483 = arith.constant 0 : i32
        %dma_start3A_484 = arith.constant 0 : i32
        %dma_start3A_485 = tpu.memref_slice %arg6[%dma_start3A_480, %dma_start3A_483, %dma_start3A_484] : memref<4x200x64xf32, #tpu.memory_space<vmem>> -> memref<1x100x64xf32, #tpu.memory_space<vmem>>
        %dma_start3A_486 = tpu.memref_squeeze %dma_start3A_485 : memref<1x100x64xf32, #tpu.memory_space<vmem>> -> memref<100x64xf32, #tpu.memory_space<vmem>>
        %dma_start3A_487 = arith.constant 0 : i32
        %dma_start3A_488 = tpu.memref_slice %arg5[%add3A_478, %dma_start3A_479, %dma_start3A_487] : memref<128x2x100xi32, #tpu.memory_space<vmem>> -> memref<1x1x100xi32, #tpu.memory_space<vmem>>
        %dma_start3A_489 = tpu.memref_squeeze %dma_start3A_488 : memref<1x1x100xi32, #tpu.memory_space<vmem>> -> memref<100xi32, #tpu.memory_space<vmem>>
        %dma_start3A_490 = arith.constant 0 : i32
        %dma_start3A_491 = arith.constant 0 : i32
        %dma_start3A_492 = tpu.memref_slice %arg3[%dma_start3A_490, %dma_start3A_491] : memref<1000000x64xf32, #tpu.memory_space<hbm>> -> memref<1000000x64xf32, #tpu.memory_space<hbm>>
        %dma_start3A_493 = tpu.memref_slice %arg7[%dma_start3A_481, %dma_start3A_482] : memref<4x2x!tpu.dma_semaphore, #tpu.memory_space<semaphore_mem>> -> memref<1x1x!tpu.dma_semaphore, #tpu.memory_space<semaphore_mem>>
        %dma_start3A_494 = tpu.memref_squeeze %dma_start3A_493 : memref<1x1x!tpu.dma_semaphore, #tpu.memory_space<semaphore_mem>> -> memref<!tpu.dma_semaphore, #tpu.memory_space<semaphore_mem>>
        tpu.enqueue_indirect_dma source(%dma_start3A_492 : memref<1000000x64xf32, #tpu.memory_space<hbm>>) target(%dma_start3A_486 : memref<100x64xf32, #tpu.memory_space<vmem>>) offsets(%dma_start3A_489 : memref<100xi32, #tpu.memory_space<vmem>>) semaphore(%dma_start3A_494 : memref<!tpu.dma_semaphore, #tpu.memory_space<semaphore_mem>>)
        %dma_start3A_495 = arith.constant 1 : i32
        %dma_start3A_496 = arith.constant 2 : i32
        %dma_start3A_497 = arith.constant 2 : i32
        %dma_start3A_498 = arith.constant 1 : i32
        %dma_start3A_499 = arith.constant 100 : i32
        %dma_start3A_500 = arith.constant 0 : i32
        %dma_start3A_501 = tpu.memref_slice %arg6[%dma_start3A_496, %dma_start3A_499, %dma_start3A_500] : memref<4x200x64xf32, #tpu.memory_space<vmem>> -> memref<1x100x64xf32, #tpu.memory_space<vmem>>
        %dma_start3A_502 = tpu.memref_squeeze %dma_start3A_501 : memref<1x100x64xf32, #tpu.memory_space<vmem>> -> memref<100x64xf32, #tpu.memory_space<vmem>>
        %dma_start3A_503 = arith.constant 0 : i32
        %dma_start3A_504 = tpu.memref_slice %arg5[%add3A_478, %dma_start3A_495, %dma_start3A_503] : memref<128x2x100xi32, #tpu.memory_space<vmem>> -> memref<1x1x100xi32, #tpu.memory_space<vmem>>
        %dma_start3A_505 = tpu.memref_squeeze %dma_start3A_504 : memref<1x1x100xi32, #tpu.memory_space<vmem>> -> memref<100xi32, #tpu.memory_space<vmem>>
        %dma_start3A_506 = arith.constant 0 : i32
        %dma_start3A_507 = arith.constant 0 : i32
        %dma_start3A_508 = tpu.memref_slice %arg3[%dma_start3A_506, %dma_start3A_507] : memref<1000000x64xf32, #tpu.memory_space<hbm>> -> memref<1000000x64xf32, #tpu.memory_space<hbm>>
        %dma_start3A_509 = tpu.memref_slice %arg7[%dma_start3A_497, %dma_start3A_498] : memref<4x2x!tpu.dma_semaphore, #tpu.memory_space<semaphore_mem>> -> memref<1x1x!tpu.dma_semaphore, #tpu.memory_space<semaphore_mem>>
        %dma_start3A_510 = tpu.memref_squeeze %dma_start3A_509 : memref<1x1x!tpu.dma_semaphore, #tpu.memory_space<semaphore_mem>> -> memref<!tpu.dma_semaphore, #tpu.memory_space<semaphore_mem>>
        tpu.enqueue_indirect_dma source(%dma_start3A_508 : memref<1000000x64xf32, #tpu.memory_space<hbm>>) target(%dma_start3A_502 : memref<100x64xf32, #tpu.memory_space<vmem>>) offsets(%dma_start3A_505 : memref<100xi32, #tpu.memory_space<vmem>>) semaphore(%dma_start3A_510 : memref<!tpu.dma_semaphore, #tpu.memory_space<semaphore_mem>>)
      } else {
      }
      %add3A_393 = arith.constant 3 : i32
      %add3A_394 = arith.addi %mul3A_147, %add3A_393 : i32
      %dma_wait3A_395 = arith.constant 0 : i32
      %dma_wait3A_396 = arith.constant 3 : i32
      %dma_wait3A_397 = arith.constant 3 : i32
      %dma_wait3A_398 = arith.constant 0 : i32
      %dma_wait3A_399 = arith.constant 0 : i32
      %dma_wait3A_400 = arith.constant 0 : i32
      %dma_wait3A_401 = tpu.memref_slice %arg6[%dma_wait3A_396, %dma_wait3A_399, %dma_wait3A_400] : memref<4x200x64xf32, #tpu.memory_space<vmem>> -> memref<1x100x64xf32, #tpu.memory_space<vmem>>
      %dma_wait3A_402 = tpu.memref_squeeze %dma_wait3A_401 : memref<1x100x64xf32, #tpu.memory_space<vmem>> -> memref<100x64xf32, #tpu.memory_space<vmem>>
      %dma_wait3A_403 = arith.constant 0 : i32
      %dma_wait3A_404 = tpu.memref_slice %arg5[%add3A_394, %dma_wait3A_395, %dma_wait3A_403] : memref<128x2x100xi32, #tpu.memory_space<vmem>> -> memref<1x1x100xi32, #tpu.memory_space<vmem>>
      %dma_wait3A_405 = tpu.memref_squeeze %dma_wait3A_404 : memref<1x1x100xi32, #tpu.memory_space<vmem>> -> memref<100xi32, #tpu.memory_space<vmem>>
      %dma_wait3A_406 = arith.constant 0 : i32
      %dma_wait3A_407 = arith.constant 0 : i32
      %dma_wait3A_408 = tpu.memref_slice %arg3[%dma_wait3A_406, %dma_wait3A_407] : memref<1000000x64xf32, #tpu.memory_space<hbm>> -> memref<1000000x64xf32, #tpu.memory_space<hbm>>
      %dma_wait3A_409 = tpu.memref_slice %arg7[%dma_wait3A_397, %dma_wait3A_398] : memref<4x2x!tpu.dma_semaphore, #tpu.memory_space<semaphore_mem>> -> memref<1x1x!tpu.dma_semaphore, #tpu.memory_space<semaphore_mem>>
      %dma_wait3A_410 = tpu.memref_squeeze %dma_wait3A_409 : memref<1x1x!tpu.dma_semaphore, #tpu.memory_space<semaphore_mem>> -> memref<!tpu.dma_semaphore, #tpu.memory_space<semaphore_mem>>
      tpu.wait_indirect_dma semaphore(%dma_wait3A_410 : memref<!tpu.dma_semaphore, #tpu.memory_space<semaphore_mem>>) src(%dma_wait3A_408 : memref<1000000x64xf32, #tpu.memory_space<hbm>>) dst(%dma_wait3A_402 : memref<100x64xf32, #tpu.memory_space<vmem>>)
      %dma_wait3A_411 = arith.constant 1 : i32
      %dma_wait3A_412 = arith.constant 3 : i32
      %dma_wait3A_413 = arith.constant 3 : i32
      %dma_wait3A_414 = arith.constant 1 : i32
      %dma_wait3A_415 = arith.constant 100 : i32
      %dma_wait3A_416 = arith.constant 0 : i32
      %dma_wait3A_417 = tpu.memref_slice %arg6[%dma_wait3A_412, %dma_wait3A_415, %dma_wait3A_416] : memref<4x200x64xf32, #tpu.memory_space<vmem>> -> memref<1x100x64xf32, #tpu.memory_space<vmem>>
      %dma_wait3A_418 = tpu.memref_squeeze %dma_wait3A_417 : memref<1x100x64xf32, #tpu.memory_space<vmem>> -> memref<100x64xf32, #tpu.memory_space<vmem>>
      %dma_wait3A_419 = arith.constant 0 : i32
      %dma_wait3A_420 = tpu.memref_slice %arg5[%add3A_394, %dma_wait3A_411, %dma_wait3A_419] : memref<128x2x100xi32, #tpu.memory_space<vmem>> -> memref<1x1x100xi32, #tpu.memory_space<vmem>>
      %dma_wait3A_421 = tpu.memref_squeeze %dma_wait3A_420 : memref<1x1x100xi32, #tpu.memory_space<vmem>> -> memref<100xi32, #tpu.memory_space<vmem>>
      %dma_wait3A_422 = arith.constant 0 : i32
      %dma_wait3A_423 = arith.constant 0 : i32
      %dma_wait3A_424 = tpu.memref_slice %arg3[%dma_wait3A_422, %dma_wait3A_423] : memref<1000000x64xf32, #tpu.memory_space<hbm>> -> memref<1000000x64xf32, #tpu.memory_space<hbm>>
      %dma_wait3A_425 = tpu.memref_slice %arg7[%dma_wait3A_413, %dma_wait3A_414] : memref<4x2x!tpu.dma_semaphore, #tpu.memory_space<semaphore_mem>> -> memref<1x1x!tpu.dma_semaphore, #tpu.memory_space<semaphore_mem>>
      %dma_wait3A_426 = tpu.memref_squeeze %dma_wait3A_425 : memref<1x1x!tpu.dma_semaphore, #tpu.memory_space<semaphore_mem>> -> memref<!tpu.dma_semaphore, #tpu.memory_space<semaphore_mem>>
      tpu.wait_indirect_dma semaphore(%dma_wait3A_426 : memref<!tpu.dma_semaphore, #tpu.memory_space<semaphore_mem>>) src(%dma_wait3A_424 : memref<1000000x64xf32, #tpu.memory_space<hbm>>) dst(%dma_wait3A_418 : memref<100x64xf32, #tpu.memory_space<vmem>>)
      %add3A_427 = arith.addi %mul3A_2, %add3A_394 : i32
      %dma_start3A_428 = arith.constant 3 : i32
      %dma_start3A_429 = arith.constant 3 : i32
      %dma_start3A_430 = arith.constant 0 : i32
      %dma_start3A_431 = arith.constant 0 : i32
      %dma_start3A_432 = tpu.memref_slice %arg6[%dma_start3A_428, %dma_start3A_430, %dma_start3A_431] : memref<4x200x64xf32, #tpu.memory_space<vmem>> -> memref<1x200x64xf32, #tpu.memory_space<vmem>>
      %dma_start3A_433 = tpu.memref_squeeze %dma_start3A_432 : memref<1x200x64xf32, #tpu.memory_space<vmem>> -> memref<200x64xf32, #tpu.memory_space<vmem>>
      %dma_start3A_434 = arith.constant 0 : i32
      %dma_start3A_435 = arith.constant 0 : i32
      %dma_start3A_436 = tpu.memref_slice %arg4[%add3A_427, %dma_start3A_434, %dma_start3A_435] : memref<4096x200x64xf32, #tpu.memory_space<hbm>> -> memref<1x200x64xf32, #tpu.memory_space<hbm>>
      %dma_start3A_437 = tpu.memref_squeeze %dma_start3A_436 : memref<1x200x64xf32, #tpu.memory_space<hbm>> -> memref<200x64xf32, #tpu.memory_space<hbm>>
      %dma_start3A_438 = tpu.memref_slice %arg8[%dma_start3A_429] : memref<4x!tpu.dma_semaphore, #tpu.memory_space<semaphore_mem>> -> memref<1x!tpu.dma_semaphore, #tpu.memory_space<semaphore_mem>>
      %dma_start3A_439 = tpu.memref_squeeze %dma_start3A_438 : memref<1x!tpu.dma_semaphore, #tpu.memory_space<semaphore_mem>> -> memref<!tpu.dma_semaphore, #tpu.memory_space<semaphore_mem>>
      %dma_start3A_440 = arith.constant 0 : i32
      %dma_start3A_441 = arith.constant 0 : i32
      %dma_start3A_442 = tpu.memref_slice %arg4[%add3A_427, %dma_start3A_440, %dma_start3A_441] : memref<4096x200x64xf32, #tpu.memory_space<hbm>> -> memref<1x200x64xf32, #tpu.memory_space<hbm>>
      %dma_start3A_443 = tpu.memref_squeeze %dma_start3A_442 : memref<1x200x64xf32, #tpu.memory_space<hbm>> -> memref<200x64xf32, #tpu.memory_space<hbm>>
      %dma_start3A_444 = arith.constant 0 : i32
      %dma_start3A_445 = arith.constant 0 : i32
      %dma_start3A_446 = tpu.memref_slice %arg6[%dma_start3A_428, %dma_start3A_444, %dma_start3A_445] : memref<4x200x64xf32, #tpu.memory_space<vmem>> -> memref<1x200x64xf32, #tpu.memory_space<vmem>>
      %dma_start3A_447 = tpu.memref_squeeze %dma_start3A_446 : memref<1x200x64xf32, #tpu.memory_space<vmem>> -> memref<200x64xf32, #tpu.memory_space<vmem>>
      tpu.enqueue_dma source(%dma_start3A_447 : memref<200x64xf32, #tpu.memory_space<vmem>>) target(%dma_start3A_443 : memref<200x64xf32, #tpu.memory_space<hbm>>) target_semaphore(%dma_start3A_439 : memref<!tpu.dma_semaphore, #tpu.memory_space<semaphore_mem>>)
      %add3A_448 = arith.addi %mul3A_2, %add3A_394 : i32
      %dma_wait3A_449 = arith.constant 3 : i32
      %dma_wait3A_450 = arith.constant 3 : i32
      %dma_wait3A_451 = arith.constant 0 : i32
      %dma_wait3A_452 = arith.constant 0 : i32
      %dma_wait3A_453 = tpu.memref_slice %arg6[%dma_wait3A_449, %dma_wait3A_451, %dma_wait3A_452] : memref<4x200x64xf32, #tpu.memory_space<vmem>> -> memref<1x200x64xf32, #tpu.memory_space<vmem>>
      %dma_wait3A_454 = tpu.memref_squeeze %dma_wait3A_453 : memref<1x200x64xf32, #tpu.memory_space<vmem>> -> memref<200x64xf32, #tpu.memory_space<vmem>>
      %dma_wait3A_455 = arith.constant 0 : i32
      %dma_wait3A_456 = arith.constant 0 : i32
      %dma_wait3A_457 = tpu.memref_slice %arg4[%add3A_448, %dma_wait3A_455, %dma_wait3A_456] : memref<4096x200x64xf32, #tpu.memory_space<hbm>> -> memref<1x200x64xf32, #tpu.memory_space<hbm>>
      %dma_wait3A_458 = tpu.memref_squeeze %dma_wait3A_457 : memref<1x200x64xf32, #tpu.memory_space<hbm>> -> memref<200x64xf32, #tpu.memory_space<hbm>>
      %dma_wait3A_459 = tpu.memref_slice %arg8[%dma_wait3A_450] : memref<4x!tpu.dma_semaphore, #tpu.memory_space<semaphore_mem>> -> memref<1x!tpu.dma_semaphore, #tpu.memory_space<semaphore_mem>>
      %dma_wait3A_460 = tpu.memref_squeeze %dma_wait3A_459 : memref<1x!tpu.dma_semaphore, #tpu.memory_space<semaphore_mem>> -> memref<!tpu.dma_semaphore, #tpu.memory_space<semaphore_mem>>
      %dma_wait3A_461 = arith.constant 0 : i32
      %dma_wait3A_462 = arith.constant 0 : i32
      %dma_wait3A_463 = tpu.memref_slice %arg4[%add3A_448, %dma_wait3A_461, %dma_wait3A_462] : memref<4096x200x64xf32, #tpu.memory_space<hbm>> -> memref<1x200x64xf32, #tpu.memory_space<hbm>>
      %dma_wait3A_464 = tpu.memref_squeeze %dma_wait3A_463 : memref<1x200x64xf32, #tpu.memory_space<hbm>> -> memref<200x64xf32, #tpu.memory_space<hbm>>
      %dma_wait3A_465 = arith.constant 0 : i32
      %dma_wait3A_466 = arith.constant 0 : i32
      %dma_wait3A_467 = tpu.memref_slice %arg6[%dma_wait3A_449, %dma_wait3A_465, %dma_wait3A_466] : memref<4x200x64xf32, #tpu.memory_space<vmem>> -> memref<1x200x64xf32, #tpu.memory_space<vmem>>
      %dma_wait3A_468 = tpu.memref_squeeze %dma_wait3A_467 : memref<1x200x64xf32, #tpu.memory_space<vmem>> -> memref<200x64xf32, #tpu.memory_space<vmem>>
      tpu.wait_dma2 semaphore(%dma_wait3A_460 : memref<!tpu.dma_semaphore, #tpu.memory_space<semaphore_mem>>) src(%dma_wait3A_468 : memref<200x64xf32, #tpu.memory_space<vmem>>) dst(%dma_wait3A_464 : memref<200x64xf32, #tpu.memory_space<hbm>>)
      %add3A_469 = arith.constant 4 : i32
      %add3A_470 = arith.addi %add3A_394, %add3A_469 : i32
      %lt3A_471 = arith.constant 128 : i32
      %lt3A_472 = arith.cmpi slt, %add3A_470, %lt3A_471 : i32
      %convert_element_type3A_473 = arith.extui %lt3A_472 : i1 to i32
      %cond3A_474 = arith.constant 0 : i32
      %cond3A_475 = arith.cmpi ne, %convert_element_type3A_473, %cond3A_474 : i32
      scf.if %cond3A_475 {
        %add3A_477 = arith.constant 4 : i32
        %add3A_478 = arith.addi %add3A_394, %add3A_477 : i32
        %dma_start3A_479 = arith.constant 0 : i32
        %dma_start3A_480 = arith.constant 3 : i32
        %dma_start3A_481 = arith.constant 3 : i32
        %dma_start3A_482 = arith.constant 0 : i32
        %dma_start3A_483 = arith.constant 0 : i32
        %dma_start3A_484 = arith.constant 0 : i32
        %dma_start3A_485 = tpu.memref_slice %arg6[%dma_start3A_480, %dma_start3A_483, %dma_start3A_484] : memref<4x200x64xf32, #tpu.memory_space<vmem>> -> memref<1x100x64xf32, #tpu.memory_space<vmem>>
        %dma_start3A_486 = tpu.memref_squeeze %dma_start3A_485 : memref<1x100x64xf32, #tpu.memory_space<vmem>> -> memref<100x64xf32, #tpu.memory_space<vmem>>
        %dma_start3A_487 = arith.constant 0 : i32
        %dma_start3A_488 = tpu.memref_slice %arg5[%add3A_478, %dma_start3A_479, %dma_start3A_487] : memref<128x2x100xi32, #tpu.memory_space<vmem>> -> memref<1x1x100xi32, #tpu.memory_space<vmem>>
        %dma_start3A_489 = tpu.memref_squeeze %dma_start3A_488 : memref<1x1x100xi32, #tpu.memory_space<vmem>> -> memref<100xi32, #tpu.memory_space<vmem>>
        %dma_start3A_490 = arith.constant 0 : i32
        %dma_start3A_491 = arith.constant 0 : i32
        %dma_start3A_492 = tpu.memref_slice %arg3[%dma_start3A_490, %dma_start3A_491] : memref<1000000x64xf32, #tpu.memory_space<hbm>> -> memref<1000000x64xf32, #tpu.memory_space<hbm>>
        %dma_start3A_493 = tpu.memref_slice %arg7[%dma_start3A_481, %dma_start3A_482] : memref<4x2x!tpu.dma_semaphore, #tpu.memory_space<semaphore_mem>> -> memref<1x1x!tpu.dma_semaphore, #tpu.memory_space<semaphore_mem>>
        %dma_start3A_494 = tpu.memref_squeeze %dma_start3A_493 : memref<1x1x!tpu.dma_semaphore, #tpu.memory_space<semaphore_mem>> -> memref<!tpu.dma_semaphore, #tpu.memory_space<semaphore_mem>>
        tpu.enqueue_indirect_dma source(%dma_start3A_492 : memref<1000000x64xf32, #tpu.memory_space<hbm>>) target(%dma_start3A_486 : memref<100x64xf32, #tpu.memory_space<vmem>>) offsets(%dma_start3A_489 : memref<100xi32, #tpu.memory_space<vmem>>) semaphore(%dma_start3A_494 : memref<!tpu.dma_semaphore, #tpu.memory_space<semaphore_mem>>)
        %dma_start3A_495 = arith.constant 1 : i32
        %dma_start3A_496 = arith.constant 3 : i32
        %dma_start3A_497 = arith.constant 3 : i32
        %dma_start3A_498 = arith.constant 1 : i32
        %dma_start3A_499 = arith.constant 100 : i32
        %dma_start3A_500 = arith.constant 0 : i32
        %dma_start3A_501 = tpu.memref_slice %arg6[%dma_start3A_496, %dma_start3A_499, %dma_start3A_500] : memref<4x200x64xf32, #tpu.memory_space<vmem>> -> memref<1x100x64xf32, #tpu.memory_space<vmem>>
        %dma_start3A_502 = tpu.memref_squeeze %dma_start3A_501 : memref<1x100x64xf32, #tpu.memory_space<vmem>> -> memref<100x64xf32, #tpu.memory_space<vmem>>
        %dma_start3A_503 = arith.constant 0 : i32
        %dma_start3A_504 = tpu.memref_slice %arg5[%add3A_478, %dma_start3A_495, %dma_start3A_503] : memref<128x2x100xi32, #tpu.memory_space<vmem>> -> memref<1x1x100xi32, #tpu.memory_space<vmem>>
        %dma_start3A_505 = tpu.memref_squeeze %dma_start3A_504 : memref<1x1x100xi32, #tpu.memory_space<vmem>> -> memref<100xi32, #tpu.memory_space<vmem>>
        %dma_start3A_506 = arith.constant 0 : i32
        %dma_start3A_507 = arith.constant 0 : i32
        %dma_start3A_508 = tpu.memref_slice %arg3[%dma_start3A_506, %dma_start3A_507] : memref<1000000x64xf32, #tpu.memory_space<hbm>> -> memref<1000000x64xf32, #tpu.memory_space<hbm>>
        %dma_start3A_509 = tpu.memref_slice %arg7[%dma_start3A_497, %dma_start3A_498] : memref<4x2x!tpu.dma_semaphore, #tpu.memory_space<semaphore_mem>> -> memref<1x1x!tpu.dma_semaphore, #tpu.memory_space<semaphore_mem>>
        %dma_start3A_510 = tpu.memref_squeeze %dma_start3A_509 : memref<1x1x!tpu.dma_semaphore, #tpu.memory_space<semaphore_mem>> -> memref<!tpu.dma_semaphore, #tpu.memory_space<semaphore_mem>>
        tpu.enqueue_indirect_dma source(%dma_start3A_508 : memref<1000000x64xf32, #tpu.memory_space<hbm>>) target(%dma_start3A_502 : memref<100x64xf32, #tpu.memory_space<vmem>>) offsets(%dma_start3A_505 : memref<100xi32, #tpu.memory_space<vmem>>) semaphore(%dma_start3A_510 : memref<!tpu.dma_semaphore, #tpu.memory_space<semaphore_mem>>)
      } else {
      }
      %scan3A_476 = arith.constant 0 : i32
      scf.yield %scan3A_476 : i32
    }
    %scan3A_143 = arith.constant 32 : i32
    return
  }
}

</mosaic_0001>

<sc_bundles>
// kernel: kernel.3.cloned.1.call-start
scs
__scs_entry_jumppad:
0x0: {  	(pc) =	sbr.rel $0x88, $3  }
0x1: {  	(tag) =	ssettag $0x0;
	lr =	simm.s32 $0x1  }
0x2: {  	[smem:$0x3F9F] =	sst lr;
	_ =	strace $0xD0000000  }
0x3: {  	_ = 	snop  }
0x4: {  	_ = 	snop  }
0x5: {  	_ = 	snop  }
0x6: {  	_ = 	snop  }
0x7: {  	_ = 	snop  }
__scs_overlays_trampoline_lowered:
0x8: {  	[smem:$0x3FAE] =	sst s0  }
0x9: {  	[smem:$0x3FAF] =	sst s1  }
0xa: {  	[smem:$0x3FB0] =	sst s2  }
0xb: {  	[smem:$0x3FB1] =	sst s3  }
0xc: {  	[smem:$0x3FB2] =	sst s4  }
0xd: {  	[smem:$0x3FB3] =	sst s5  }
0xe: {  	[smem:$0x3FB4] =	sst s6  }
0xf: {  	[smem:$0x3FB5] =	sst s7  }
0x10: {  	[smem:$0x3FB6] =	sst s8  }
0x11: {  	[smem:$0x3FB7] =	sst s9;
	s0 =	simm.s32 @!p0 $0x0  }
0x12: {  	s1 =	sld [smem:$0x3F9D];
	s0 =	simm.s32 @p0 $0x1  }
0x13: {  	[smem:$0x3FB8] =	sst s0;
	s0 =	simm.s32 @!p1 $0x0  }
0x14: {  	s2 =	sld [smem:$0x3F9C];
	s0 =	simm.s32 @p1 $0x1  }
0x15: {  	[smem:$0x3FB9] =	sst s0;
	s0 =	simm.s32 @!p2 $0x0  }
0x16: {  	s3 =	sld [smem:$0x3FDB];
	s0 =	simm.s32 @p2 $0x1  }
0x17: {  	s4 =	simm.s32 $0x1BF5;
	[smem:$0x3FBB] =	sst s0  }
0x18: {  	s0 =	sld [smem:$0x3F9E];
	_ =	swait.ge [sflag:s4], $0x0  }
0x19: {  	s7 =	sld [smem:$0x3F9F]  }
0x1a: {  	s8 =	sadd.s32 $0xFFFFE003, lr  }
0x1b: {  	s9 =	sadd.s32 $0xFFFFFEF7, lr;
	s5 =	simm.s32 $0xFFFFFFFF;
	p2 =	slt.u32 s8, $0xFFFFF086  }
0x1c: {  	p1 =	slt.u32 s9, $0xF7A;
	s5 =	simm.s32 @!p2 $0x0  }
0x1d: {  	s5 =	simm.s32 @p1 $0x1;
	p0 =	seq.s32 s7, s2  }
0x1e: {  	s7 =	smul.u32 @!p0 $0xF7A, s2;
	p2 =	seq.s32 @!p0 s5, $0x0  }
0x1f: {  	s9 =	smul.u32 $0xF7A, s1;
	s8 =	simm.s32 @!p0 $0x1BF5;
	p2 =	por !p2, p0  }
0x20: {  	[sflag:s8] =	ssyncset.s32 @!p0 $0xFFFFF086;
	s6 =	sadd.s32 @!p0 s3, s7;
	s7 =	simm.s32 @!p0 $0x108  }
0x21: {  	s3 =	sadd.s32 s3, s9;
	s6 =	sadd.s32 @!p0 $0x88, s6;
	s7 =	simm.s32 @p2 $0x1082  }
0x22: {  	[simem:s7], [sflag:s8] =	dma.local @!p0 [hbm:s6], $0xF7A  }
0x23: {  	s9 =	sor.u32 $0xD0000000, s2;
	s6 =	simm.s32 $0x108;
	_ =	swait.ge @!p0 [sflag:s8], $0x0  }
0x24: {  	s3 =	sadd.s32 $0x88, s3;
	s6 =	simm.s32 @!p1 $0x1082;
	[sflag:s4] =	ssyncset.s32 $0xFFFFF086  }
0x25: {  	[simem:s6], [sflag:s4] =	dma.local [hbm:s3], $0xF7A  }
0x26: {  	[smem:$0x3F9F] =	sst s1;
	(tag) =	ssettag s2;
	_ =	strace s9  }
0x27: {  	s1 =	sld [smem:$0x3FAF]  }
0x28: {  	s2 =	sld [smem:$0x3FB0]  }
0x29: {  	s4 =	sld [smem:$0x3FB2]  }
0x2a: {  	p0 =	seq.s32 s5, $0x0;
	s5 =	sld [smem:$0x3FB3]  }
0x2b: {  	s6 =	sld [smem:$0x3FB4]  }
0x2c: {  	s7 =	sld [smem:$0x3FB5]  }
0x2d: {  	s3 =	simm.s32 $0x108;
	s8 =	sld [smem:$0x3FB6]  }
0x2e: {  	s3 =	simm.s32 @!p0 $0x1082;
	s9 =	sld [smem:$0x3FB7]  }
0x2f: {  	lr =	sadd.s32 s0, s3;
	s0 =	sld [smem:$0x3FAE]  }
0x30: {  	s3 =	sld [smem:$0x3FB1]  }
0x31: {  	[smem:$0x3FBA] =	sst s10  }
0x32: {  	s10 =	sld [smem:$0x3FB8];
	_ =	sdelay $0x3  }
0x33: {  	p0 =	seq.s32 s10, $0x1;
	s10 =	sld [smem:$0x3FBA];
	_ =	sdelay $0x3  }
0x34: {  	[smem:$0x3FBA] =	sst s10  }
0x35: {  	s10 =	sld [smem:$0x3FB9];
	_ =	sdelay $0x3  }
0x36: {  	p1 =	seq.s32 s10, $0x1;
	s10 =	sld [smem:$0x3FBA];
	_ =	sdelay $0x3  }
0x37: {  	[smem:$0x3FBA] =	sst s10  }
0x38: {  	s10 =	sld [smem:$0x3FBB]  }
0x39: {  	_ = 	snop;
	(pc) =	sbr.ind lr, $3  }
0x3a: {  	_ = 	snop  }
0x3b: {  	_ = 	snop  }
0x3c: {  	p2 =	seq.s32 s10, $0x1;
	s10 =	sld [smem:$0x3FBA]  }
0x3d: {  	_ =	shalt  }
0x3e: {  	_ =	shalt  }
0x3f: {  	_ =	shalt  }
0x40: {  	_ =	shalt  }
0x41: {  	_ =	shalt  }
0x42: {  	_ =	shalt  }
0x43: {  	_ =	shalt  }
0x44: {  	_ =	shalt  }
0x45: {  	_ =	shalt  }
0x46: {  	_ =	shalt  }
0x47: {  	_ =	shalt  }
0x48: {  	_ =	shalt  }
0x49: {  	_ =	shalt  }
0x4a: {  	_ =	shalt  }
0x4b: {  	_ =	shalt  }
0x4c: {  	_ =	shalt  }
0x4d: {  	_ =	shalt  }
0x4e: {  	_ =	shalt  }
0x4f: {  	_ =	shalt  }
0x50: {  	_ =	shalt  }
0x51: {  	_ =	shalt  }
0x52: {  	_ =	shalt  }
0x53: {  	_ =	shalt  }
0x54: {  	_ =	shalt  }
0x55: {  	_ =	shalt  }
0x56: {  	_ =	shalt  }
0x57: {  	_ =	shalt  }
0x58: {  	_ =	shalt  }
0x59: {  	_ =	shalt  }
0x5a: {  	_ =	shalt  }
0x5b: {  	_ =	shalt  }
0x5c: {  	_ =	shalt  }
0x5d: {  	_ =	shalt  }
0x5e: {  	_ =	shalt  }
0x5f: {  	_ =	shalt  }
0x60: {  	_ =	shalt  }
0x61: {  	_ =	shalt  }
0x62: {  	_ =	shalt  }
0x63: {  	_ =	shalt  }
0x64: {  	_ =	shalt  }
0x65: {  	_ =	shalt  }
0x66: {  	_ =	shalt  }
0x67: {  	_ =	shalt  }
0x68: {  	_ =	shalt  }
0x69: {  	_ =	shalt  }
0x6a: {  	_ =	shalt  }
0x6b: {  	_ =	shalt  }
0x6c: {  	_ =	shalt  }
0x6d: {  	_ =	shalt  }
0x6e: {  	_ =	shalt  }
0x6f: {  	_ =	shalt  }
0x70: {  	_ =	shalt  }
0x71: {  	_ =	shalt  }
0x72: {  	_ =	shalt  }
0x73: {  	_ =	shalt  }
0x74: {  	_ =	shalt  }
0x75: {  	_ =	shalt  }
0x76: {  	_ =	shalt  }
0x77: {  	_ =	shalt  }
0x78: {  	_ =	shalt  }
0x79: {  	_ =	shalt  }
0x7a: {  	_ =	shalt  }
0x7b: {  	_ =	shalt  }
0x7c: {  	_ =	shalt  }
0x7d: {  	_ =	shalt  }
0x7e: {  	_ =	shalt  }
0x7f: {  	_ =	shalt  }
0x80: {  	_ =	shalt  }
0x81: {  	_ =	shalt  }
0x82: {  	_ =	shalt  }
0x83: {  	_ =	shalt  }
0x84: {  	_ =	shalt  }
0x85: {  	_ =	shalt  }
0x86: {  	_ =	shalt  }
0x87: {  	_ =	shalt  }
.Lfunc_end0:
.L_simem_size_0:
called_computation.1_lowered:
.L_overlay_start_0:
0x88: {  	s2 =	sld [smem:$0x3FD9]  }
0x89: {  	s3 =	sld [smem:$0x3FFE];
	_ =	sdelay $0x1  }
0x8a: {  	s1 =	srdreg.scid  }
0x8b: {  	s0 =	sand.u32 $0x1, s1  }
0x8c: {  	s17 =	sshll.u32 s0, $0xA;
	s2 =	sadd.s32 s3, s2  }
0x8d: {  	s2 =	sadd.s32 s2, s17  }
0x8e: {  	[smem:$0x3FC6] =	sst s2  }
0x8f: {  	_ = 	snop  }
0x90: {  	s2 =	sld [smem:$0x3FD0];
	(tm) =	ssettm $0x1  }
0x91: {  	s18 =	sld [smem:$0x3FFB];
	_ =	sdelay $0x3  }
0x92: {  	_ =	strace s18  }
0x93: {  	s3 =	sld [smem:$0x3FFC];
	_ =	sdelay $0x3  }
0x94: {  	_ =	strace s3  }
0x95: {  	s3 =	sld [smem:$0x3FFD];
	_ =	sdelay $0x3  }
0x96: {  	_ =	strace s3  }
0x97: {  	_ =	strace $0x8FFFFFFF  }
0x98: {  	s19 =	sld [smem:$0x3FDB];
	_ =	sdelay $0x1  }
0x99: {  	s4 =	simm.s32 $_scs_section_size  }
0x9a: {  	s5 =	simm.s32 $_size__tile_overlayer_lowered;
	s6 =	simm.s32 $_tile_overlayer_lowered  }
0x9b: {  	s22 =	simm.s32 $0x1BFF;
	s21 =	sshll.u32 s6, $0x1;
	s3 =	sadd.s32 s4, s19  }
0x9c: {  	s7 =	simm.s32 $0x0;
	s20 =	sshll.u32 s5, $0x1;
	s5 =	sadd.s32 s21, s3  }
0x9d: {  	[timem:s7], [sflag:s22] =	dma.local [hbm:s5], s20  }
0x9e: {  	_ =	swait.ge [sflag:s22], s20  }
0x9f: {  	s4 =	ssub.s32 $0x0, s20;
	[sflag:s22] =	ssyncset.done $0x0  }
0xa0: {  	[sflag:s22] =	ssyncadd.s32 s4;
	_ =	sdelay $0x1  }
0xa1: {  	s23 =	simm.s32 $0x1B8B  }
0xa2: {  	_ =	swait.ge [sflag:s23], $0x1  }
0xa3: {  	[sflag:s23] =	ssyncset.done $0x0  }
0xa4: {  	s25 =	simm.s32 $0x1B8E;
	s24 =	sld [smem:$0x3FFE];
	[sflag:s23] =	ssyncadd.s32 $0xFFFFFFFF  }
0xa5: {  	s26 =	simm.s32 $execute0_lowered;
	[smem:$0x3FD2] =	sst s25  }
0xa6: {  	s5 =	sshll.u32 s26, $0x1;
	_ =	strace $0x80000046;
	[dreg:$0x1] =	wrdreg $0xFFFFFFFF  }
0xa7: {  	s28 =	simm.s32 $_size_execute0_lowered;
	s3 =	sadd.s32 s3, s5;
	[dreg:$0x0] =	wrdreg $0x0  }
0xa8: {  	s5 =	sshll.u32 s28, $0x1;
	[dreg:$0x2] =	wrdreg s3  }
0xa9: {  	[dreg:$0x3] =	wrdreg s5  }
0xaa: {  	[dreg:$0x4] =	wrdreg $0xC0  }
0xab: {  	_ =	task [dreg:s7], $0x5FFFF  }
0xac: {  	[dreg:$0x1] =	wrdreg $0xFFFFFFFF  }
0xad: {  	[dreg:$0x0] =	wrdreg $0x60  }
0xae: {  	[dreg:$0x2] =	wrdreg s24  }
0xaf: {  	[dreg:$0x3] =	wrdreg s2  }
0xb0: {  	[dreg:$0x4] =	wrdreg $0x9  }
0xb1: {  	_ =	task.clear_ibuf [dreg:s7], $0x5FFFF;
	_ =	strace $0x90000046  }
0xb2: {  	s29 =	simm.s32 $0x9;
	_ =	strace $0x80000048  }
0xb3: {  	_ =	swait.ge [sflag:s29], $0x1  }
0xb4: {  	[sflag:s29] =	ssyncadd.s32 $0xFFFFFFFF  }
0xb5: {  	_ =	strace $0x90000048  }
0xb6: {  	_ =	sfence  }
0xb7: {  	s30 =	sld [smem:$0x0];
	_ =	sdelay $0x2  }
0xb8: {  	s31 =	sshll.u32 s1, $0xD;
	s1 =	sshrl.u32 s1, $0x2  }
0xb9: {  	s3 =	sand.u32 $0x4000, s31;
	s1 =	sadd.s32 s1, s30  }
0xba: {  	s0 =	sor.u32 s3, s0;
	s1 =	sshll.u32 s1, $0x11  }
0xbb: {  	s0 =	sor.u32 s1, s0  }
0xbc: {  	s0 =	sadd.s32 $0x8F2B, s0  }
0xbd: {  	[sflag:s0] =	ssyncadd.remote.s32 $0x1  }
0xbe: {  	_ =	sfence.sel $0xFFFF  }
0xbf: {  	[dreg:$0x0] =	wrdreg $0xFFFFFFFF;
	(pc) =	sbr.abs _section_cstart, $3  }
0xc0: {  	[dreg:$0x1] =	wrdreg $0xFFFFFFFF  }
0xc1: {  	_ =	task.clear_ibuf [dreg:s7], $0x2FFFF;
	_ =	strace $0x9FFFFFFF  }
0xc2: {  	(tm) =	ssettm $0x7FFFFFFF  }
0xc3: {  	_ =	shalt  }
tec
execute0_lowered:
.L_overlay_start_1:
0x0: {  	(tag) =	ssettag $0x1  }
0x1: {  	s0 =	rddreg [dreg:$0x0];
	s1 =	srdreg.scid  }
0x2: {  	s6 =	stileid.u32;
	s4 =	rddreg [dreg:$0x1]  }
0x3: {  	s2 =	simm.s32 $0x0;
	s9 =	simm.s32 $0x6800;
	s13 =	simm.s32 $0x9A00  }
0x4: {  	s17 =	simm.s32 $0xCC00;
	s21 =	simm.s32 $0xFE00;
	s23 =	simm.s32 $0x11700  }
0x5: {  	s24 =	simm.s32 $0x1;
	s25 =	simm.s32 $0x2;
	s28 =	simm.s32 $0x3  }
0x6: {  	s29 =	simm.s32 $0x4;
	s30 =	simm.s32 $0xA;
	s31 =	simm.s32 $0x5  }
0x7: {  	s10 =	simm.s32 $0x7;
	s11 =	simm.s32 $0x8;
	s12 =	simm.s32 $0xC  }
0x8: {  	s1 =	sand.u32 $0x1, s1;
	s3 =	sshll.u32 s6, $0x1;
	s6 =	smul.u32 $0x64000, s6  }
0x9: {  	s3 =	sor.u32 s1, s3;
	s5 =	ssub.s32 $0x2, s1;
	s1 =	smul.u32 $0x32000, s1  }
0xa: {  	s14 =	simm.s32 $0x0;
	[smem:$0x7FF] =	sst s2;
	s3 =	smul.u32 $0xD00, s3  }
.Ltmp0:
0xb: {  	s8 =	sshrl.u32 s5, $0x1;
	s6 =	sadd.s32 s6, s4;
	(pc) =	sbr.rel .LBB2_1-.Ltmp0, $4  }
0xc: {  	_ =	strace $0x80000047;
	s26 =	ssub.s32 s5, s8;
	s15 =	sadd.s32 s1, s6  }
0xd: {  	s8 =	simm.s32 $0x64;
	s1 =	simm.s32 $0x6;
	s7 =	sadd.s32 s3, s0  }
0xe: {  	s3 =	sadd.s32 $0xF42E00, s0;
	s5 =	smax.u32 s26, $0x1;
	s26 =	simm.s32 $0x9  }
0xf: {  	s0 =	simm.s32 $0xB;
	s4 =	sadd.s32 $0xA00, s7;
	s7 =	simm.s32 $0xD  }
.LBB2_4:
0x10: {  	s14 =	sadd.s32 $0x1, s14  }
0x11: {  	p0 =	sne.s32 s14, s5  }
.Ltmp1:
0x12: {  	_ = 	snop;
	(pc) =	sbr.rel @!p0 .LBB2_5-.Ltmp1, $1  }
0x13: {  	_ =	sdelay $0x3  }
.LBB2_1:
0x14: {  	[tilespmem:s2], [sflag:$0xD] =	stream.linear.gather [hbm4b:s4+s2], $0x6800, $0x38;
	[tilespmem:$0x13000] =	vst v63  }
0x15: {  	_ =	swait.ge [sflag:s7], $0x6800  }
0x16: {  	[sflag:s7] =	ssyncset.done $0x0  }
0x17: {  	[sflag:s7] =	ssyncadd.s32 $0xFFFF9800  }
0x18: {  	[tilespmem:s9], [sflag:$0x1] =	stream.indirect.gather [hbm4b:s3+s8], $0x40, s2, s8, $0xb8;
	[tilespmem:$0x13000] =	vst v63  }
0x19: {  	s6 =	simm.s32 $0x68;
	s16 =	simm.s32 $0x8100  }
0x1a: {  	[tilespmem:s16], [sflag:$0x2] =	stream.indirect.gather [hbm4b:s3+s8], $0x40, s6, s8, $0xb8;
	[tilespmem:$0x13000] =	vst v63  }
0x1b: {  	s19 =	simm.s32 $0xD0  }
0x1c: {  	[tilespmem:s13], [sflag:$0x3] =	stream.indirect.gather [hbm4b:s3+s8], $0x40, s19, s8, $0xb8;
	[tilespmem:$0x13000] =	vst v63  }
0x1d: {  	s20 =	simm.s32 $0x138;
	s22 =	simm.s32 $0xB300  }
0x1e: {  	[tilespmem:s22], [sflag:$0x4] =	stream.indirect.gather [hbm4b:s3+s8], $0x40, s20, s8, $0xb8;
	[tilespmem:$0x13000] =	vst v63  }
0x1f: {  	s16 =	simm.s32 $0x1A0  }
0x20: {  	[tilespmem:s17], [sflag:$0x5] =	stream.indirect.gather [hbm4b:s3+s8], $0x40, s16, s8, $0xb8;
	[tilespmem:$0x13000] =	vst v63  }
0x21: {  	s18 =	simm.s32 $0x208;
	s19 =	simm.s32 $0xE500  }
0x22: {  	[tilespmem:s19], [sflag:$0x6] =	stream.indirect.gather [hbm4b:s3+s8], $0x40, s18, s8, $0xb8;
	[tilespmem:$0x13000] =	vst v63  }
0x23: {  	s20 =	simm.s32 $0x270  }
0x24: {  	[tilespmem:s21], [sflag:$0x7] =	stream.indirect.gather [hbm4b:s3+s8], $0x40, s20, s8, $0xb8;
	[tilespmem:$0x13000] =	vst v63  }
0x25: {  	s6 =	smov.u32 s15;
	s22 =	simm.s32 $0x2D8;
	s16 =	simm.s32 $0x0  }
0x26: {  	[tilespmem:s23], [sflag:$0x8] =	stream.indirect.gather [hbm4b:s3+s8], $0x40, s22, s8, $0xb8;
	[tilespmem:$0x13000] =	vst v63  }
.LBB2_2:
0x27: {  	_ =	swait.ge [sflag:s24], $0x1900  }
0x28: {  	[sflag:s24] =	ssyncset.done $0x0  }
0x29: {  	[sflag:s24] =	ssyncadd.s32 $0xFFFFE700  }
0x2a: {  	_ =	swait.ge [sflag:s25], $0x1900  }
0x2b: {  	[sflag:s25] =	ssyncset.done $0x0  }
0x2c: {  	[sflag:s25] =	ssyncadd.s32 $0xFFFFE700  }
0x2d: {  	[hbm4b:s6+s2] =	stream.linear.scatter [tilespmem:s9], [sflag:$0x9], $0x3200, $0x38;
	[tilespmem:$0x13000] =	vst v63  }
0x2e: {  	p0 =	seq.s32 s16, $0x19300;
	_ =	swait.ge [sflag:s26], $0x3200  }
0x2f: {  	s18 =	sshra.s32 @!p0 s16, $0x2;
	s20 =	simm.s32 @!p0 $0x64;
	[sflag:s26] =	ssyncset.done $0x0  }
0x30: {  	s22 =	simm.s32 @!p0 $0x6800;
	s19 =	sadd.s32 @!p0 $0x340, s18;
	[sflag:s26] =	ssyncadd.s32 $0xFFFFCE00  }
0x31: {  	[tilespmem:s22], [sflag:$0x1] =	stream.indirect.gather @!p0 [hbm4b:s3+s20], $0x40, s19, s20, $0xb8;
	[tilespmem:$0x13000] =	vst v63  }
0x32: {  	s19 =	sadd.s32 @!p0 $0x3A8, s18;
	s22 =	simm.s32 @!p0 $0x8100  }
0x33: {  	[tilespmem:s22], [sflag:$0x2] =	stream.indirect.gather @!p0 [hbm4b:s3+s20], $0x40, s19, s20, $0xb8;
	[tilespmem:$0x13000] =	vst v63  }
0x34: {  	_ =	swait.ge [sflag:s28], $0x1900  }
0x35: {  	[sflag:s28] =	ssyncset.done $0x0  }
0x36: {  	[sflag:s28] =	ssyncadd.s32 $0xFFFFE700  }
0x37: {  	_ =	swait.ge [sflag:s29], $0x1900  }
0x38: {  	[sflag:s29] =	ssyncset.done $0x0  }
0x39: {  	s22 =	sadd.s32 $0x640, s6;
	[sflag:s29] =	ssyncadd.s32 $0xFFFFE700  }
0x3a: {  	[hbm4b:s22+s2] =	stream.linear.scatter [tilespmem:s13], [sflag:$0xA], $0x3200, $0x38;
	[tilespmem:$0x13000] =	vst v63  }
0x3b: {  	_ =	swait.ge [sflag:s30], $0x3200  }
0x3c: {  	[sflag:s30] =	ssyncset.done $0x0  }
0x3d: {  	s19 =	sadd.s32 @!p0 $0x410, s18;
	s22 =	simm.s32 @!p0 $0x9A00;
	[sflag:s30] =	ssyncadd.s32 $0xFFFFCE00  }
0x3e: {  	[tilespmem:s22], [sflag:$0x3] =	stream.indirect.gather @!p0 [hbm4b:s3+s20], $0x40, s19, s20, $0xb8;
	[tilespmem:$0x13000] =	vst v63  }
0x3f: {  	s19 =	sadd.s32 @!p0 $0x478, s18;
	s22 =	simm.s32 @!p0 $0xB300  }
0x40: {  	[tilespmem:s22], [sflag:$0x4] =	stream.indirect.gather @!p0 [hbm4b:s3+s20], $0x40, s19, s20, $0xb8;
	[tilespmem:$0x13000] =	vst v63  }
0x41: {  	_ =	swait.ge [sflag:s31], $0x1900  }
0x42: {  	[sflag:s31] =	ssyncset.done $0x0  }
0x43: {  	[sflag:s31] =	ssyncadd.s32 $0xFFFFE700  }
0x44: {  	_ =	swait.ge [sflag:s1], $0x1900  }
0x45: {  	[sflag:s1] =	ssyncset.done $0x0  }
0x46: {  	s22 =	sadd.s32 $0xC80, s6;
	[sflag:s1] =	ssyncadd.s32 $0xFFFFE700  }
0x47: {  	[hbm4b:s22+s2] =	stream.linear.scatter [tilespmem:s17], [sflag:$0xB], $0x3200, $0x38;
	[tilespmem:$0x13000] =	vst v63  }
0x48: {  	_ =	swait.ge [sflag:s0], $0x3200  }
0x49: {  	[sflag:s0] =	ssyncset.done $0x0  }
0x4a: {  	s19 =	sadd.s32 @!p0 $0x4E0, s18;
	s22 =	simm.s32 @!p0 $0xCC00;
	[sflag:s0] =	ssyncadd.s32 $0xFFFFCE00  }
0x4b: {  	[tilespmem:s22], [sflag:$0x5] =	stream.indirect.gather @!p0 [hbm4b:s3+s20], $0x40, s19, s20, $0xb8;
	[tilespmem:$0x13000] =	vst v63  }
0x4c: {  	s18 =	sadd.s32 @!p0 $0x548, s18;
	s19 =	simm.s32 @!p0 $0xE500  }
0x4d: {  	[tilespmem:s19], [sflag:$0x6] =	stream.indirect.gather @!p0 [hbm4b:s3+s20], $0x40, s18, s20, $0xb8;
	[tilespmem:$0x13000] =	vst v63  }
0x4e: {  	_ =	swait.ge [sflag:s10], $0x1900  }
0x4f: {  	[sflag:s10] =	ssyncset.done $0x0  }
0x50: {  	[sflag:s10] =	ssyncadd.s32 $0xFFFFE700  }
0x51: {  	_ =	swait.ge [sflag:s11], $0x1900  }
0x52: {  	[sflag:s11] =	ssyncset.done $0x0  }
.Ltmp2:
0x53: {  	s22 =	sadd.s32 $0x12C0, s6;
	[sflag:s11] =	ssyncadd.s32 $0xFFFFE700;
	(pc) =	sbr.rel @p0 .LBB2_4-.Ltmp2, $4  }
0x54: {  	[hbm4b:s22+s2] =	stream.linear.scatter [tilespmem:s21], [sflag:$0xC], $0x3200, $0x38;
	[tilespmem:$0x13000] =	vst v63  }
0x55: {  	_ =	swait.ge [sflag:s12], $0x3200  }
0x56: {  	[sflag:s12] =	ssyncset.done $0x0  }
0x57: {  	[sflag:s12] =	ssyncadd.s32 $0xFFFFCE00  }
.Ltmp3:
0x58: {  	s18 =	sshra.s32 s16, $0x2;
	(pc) =	sbr.rel .LBB2_2-.Ltmp3, $4  }
0x59: {  	s19 =	sadd.s32 $0x5B0, s18  }
0x5a: {  	[tilespmem:s21], [sflag:$0x7] =	stream.indirect.gather [hbm4b:s3+s8], $0x40, s19, s8, $0xb8;
	[tilespmem:$0x13000] =	vst v63  }
0x5b: {  	s16 =	sadd.s32 $0xD00, s16;
	s6 =	sadd.s32 $0x1900, s6;
	s18 =	sadd.s32 $0x618, s18  }
0x5c: {  	[tilespmem:s23], [sflag:$0x8] =	stream.indirect.gather [hbm4b:s3+s8], $0x40, s18, s8, $0xb8;
	[tilespmem:$0x13000] =	vst v63  }
.LBB2_5:
0x5d: {  	_ =	sfence.sel $0x180000  }
0x5e: {  	[bflag:$0x0] =	sbarrier.arrive $0xFFFF  }
0x5f: {  	_ =	strace $0x90000047  }
0x60: {  	s0 =	stileid.u32;
	[bflag:$0x2] =	sbarrier.arrive $0xFFFF  }
0x61: {  	p0 =	sne.s32 s0, $0x0;
	s0 =	rddreg [dreg:$0x2]  }
0x62: {  	s0 =	sadd.s32 @!p0 $0x100000, s0  }
0x63: {  	[sflag:s0] =	ssyncadd.tile.s32 @!p0 $0x1;
	_ =	shalt  }
.Lfunc_end2:
_tile_overlayer_lowered:
.L_overlay_start_2:
0x64: {  	(tag) =	ssettag $0x2  }
0x65: {  	s0 =	rddreg [dreg:$0x0];
	s2 =	stileid.u32  }
0x66: {  	s1 =	rddreg [dreg:$0x1];
	p0 =	sne.s32 s2, $0x0  }
0x67: {  	s3 =	rddreg [dreg:$0x2];
	[bflag:$0x3] =	sbarrier.arrive $0xFFFF;
	s2 =	simm.s32 @!p0 $0x1C0D  }
0x68: {  	[timem:s3], [sflag:s2] =	dma.local @!p0 [hbm:s0], s1  }
0x69: {  	s0 =	simm.s32 @!p0 $0xD  }
0x6a: {  	_ =	swait.ge @!p0 [sflag:s0], s1  }
0x6b: {  	s1 =	ssub.s32 @!p0 $0x0, s1;
	[sflag:s0] =	ssyncset.done @!p0 $0x0  }
0x6c: {  	[sflag:s0] =	ssyncadd.s32 @!p0 s1  }
0x6d: {  	[bflag:$0x3] =	sbarrier.arrive $0xFFFF  }
0x6e: {  	_ =	shalt  }

// kernel: sparse-core-data-format-call.cloned.1.call-start
scs
called_computation_lowered:
.L_overlay_start_0:
0x0: {  	s2 =	sld [smem:$0x3FD9]  }
0x1: {  	s3 =	sld [smem:$0x3FFE];
	_ =	sdelay $0x1  }
0x2: {  	s1 =	srdreg.scid  }
0x3: {  	s0 =	sand.u32 $0x1, s1  }
0x4: {  	s18 =	sshll.u32 s0, $0xA;
	s2 =	sadd.s32 s3, s2  }
0x5: {  	s2 =	sadd.s32 s2, s18  }
0x6: {  	[smem:$0x3FC6] =	sst s2  }
0x7: {  	_ = 	snop  }
0x8: {  	s2 =	sld [smem:$0x3FD0];
	(tm) =	ssettm $0x1  }
0x9: {  	s19 =	sld [smem:$0x3FFB];
	_ =	sdelay $0x3  }
0xa: {  	_ =	strace s19  }
0xb: {  	s3 =	sld [smem:$0x3FFC];
	_ =	sdelay $0x3  }
0xc: {  	_ =	strace s3  }
0xd: {  	s3 =	sld [smem:$0x3FFD];
	_ =	sdelay $0x3  }
0xe: {  	_ =	strace s3  }
0xf: {  	_ =	strace $0x8FFFFFFF  }
0x10: {  	s20 =	sld [smem:$0x3FDB];
	_ =	sdelay $0x1  }
0x11: {  	s4 =	simm.s32 $_scs_section_size  }
0x12: {  	s5 =	simm.s32 $_size__tile_overlayer_lowered;
	s6 =	simm.s32 $_tile_overlayer_lowered  }
0x13: {  	s23 =	simm.s32 $0x1BFF;
	s22 =	sshll.u32 s6, $0x1;
	s3 =	sadd.s32 s4, s20  }
0x14: {  	s7 =	simm.s32 $0x0;
	s21 =	sshll.u32 s5, $0x1;
	s5 =	sadd.s32 s22, s3  }
0x15: {  	[timem:s7], [sflag:s23] =	dma.local [hbm:s5], s21  }
0x16: {  	_ =	swait.ge [sflag:s23], s21  }
0x17: {  	s4 =	ssub.s32 $0x0, s21;
	[sflag:s23] =	ssyncset.done $0x0  }
0x18: {  	[sflag:s23] =	ssyncadd.s32 s4;
	_ =	sdelay $0x1  }
0x19: {  	s24 =	simm.s32 $0x1B8B  }
0x1a: {  	_ =	swait.ge [sflag:s24], $0x1  }
0x1b: {  	[sflag:s24] =	ssyncset.done $0x0  }
0x1c: {  	s26 =	simm.s32 $0x1B8E;
	s25 =	sld [smem:$0x3FFE];
	[sflag:s24] =	ssyncadd.s32 $0xFFFFFFFF  }
0x1d: {  	s27 =	simm.s32 $execute0_lowered;
	[smem:$0x3FD2] =	sst s26  }
0x1e: {  	s5 =	sshll.u32 s27, $0x1;
	_ =	strace $0x80000049;
	[dreg:$0x1] =	wrdreg $0xFFFFFFFF  }
0x1f: {  	s28 =	simm.s32 $_size_execute0_lowered;
	s3 =	sadd.s32 s3, s5;
	[dreg:$0x0] =	wrdreg $0x0  }
0x20: {  	s5 =	sshll.u32 s28, $0x1;
	[dreg:$0x2] =	wrdreg s3  }
0x21: {  	[dreg:$0x3] =	wrdreg s5  }
0x22: {  	[dreg:$0x4] =	wrdreg $0xC0  }
0x23: {  	_ =	task [dreg:s7], $0x5FFFF  }
0x24: {  	[dreg:$0x1] =	wrdreg $0xFFFFFFFF  }
0x25: {  	[dreg:$0x0] =	wrdreg $0x60  }
0x26: {  	[dreg:$0x2] =	wrdreg s25  }
0x27: {  	[dreg:$0x3] =	wrdreg s2  }
0x28: {  	[dreg:$0x4] =	wrdreg $0x9  }
0x29: {  	_ =	task.clear_ibuf [dreg:s7], $0x5FFFF;
	_ =	strace $0x90000049  }
0x2a: {  	s29 =	simm.s32 $0x9;
	_ =	strace $0x8000004B  }
0x2b: {  	_ =	swait.ge [sflag:s29], $0x1  }
0x2c: {  	[sflag:s29] =	ssyncadd.s32 $0xFFFFFFFF  }
0x2d: {  	_ =	strace $0x9000004B  }
0x2e: {  	_ =	sfence  }
0x2f: {  	s30 =	sld [smem:$0x0];
	_ =	sdelay $0x2  }
0x30: {  	s31 =	sshll.u32 s1, $0xD;
	s1 =	sshrl.u32 s1, $0x2  }
0x31: {  	s3 =	sand.u32 $0x4000, s31;
	s1 =	sadd.s32 s1, s30  }
0x32: {  	s0 =	sor.u32 s3, s0;
	s1 =	sshll.u32 s1, $0x11  }
0x33: {  	s0 =	sor.u32 s1, s0  }
0x34: {  	s0 =	sadd.s32 $0x8F2B, s0  }
0x35: {  	[sflag:s0] =	ssyncadd.remote.s32 $0x1  }
0x36: {  	_ =	sfence.sel $0xFFFF  }
0x37: {  	[dreg:$0x0] =	wrdreg $0xFFFFFFFF;
	(pc) =	sbr.abs _section_cstart, $3  }
0x38: {  	[dreg:$0x1] =	wrdreg $0xFFFFFFFF  }
0x39: {  	_ =	task.clear_ibuf [dreg:s7], $0x2FFFF;
	_ =	strace $0x9FFFFFFF  }
0x3a: {  	(tm) =	ssettm $0x7FFFFFFF  }
0x3b: {  	_ =	shalt  }
tec
execute0_lowered:
.L_overlay_start_1:
0x0: {  	(tag) =	ssettag $0x1  }
0x1: {  	s0 =	srdreg.scid  }
0x2: {  	s1 =	sshll.u32 s0, $0x4  }
0x3: {  	s0 =	stileid.u32;
	s1 =	sand.u32 $0x10, s1  }
0x4: {  	s1 =	sor.u32 s0, s1  }
0x5: {  	s6 =	rddreg [dreg:$0x0];
	s4 =	simm.s32 $0x1;
	s2 =	sshll.u32 s1, $0x7  }
0x6: {  	s7 =	simm.s32 $0x2;
	s12 =	simm.s32 $0x0;
	s1 =	ssub.s32 $0x1000, s2  }
0x7: {  	s8 =	simm.s32 $0x8000;
	s13 =	simm.s32 $0x0;
	s3 =	sand.u32 $0xF80, s1  }
0x8: {  	s9 =	simm.s32 $0x0;
	s5 =	sshrl.u32 s1, $0xC;
	p0 =	sne.s32 s3, $0x0  }
.Ltmp0:
0x9: {  	s1 =	rddreg [dreg:$0x2];
	s4 =	simm.s32 @!p0 $0x0;
	(pc) =	sbr.rel .LBB1_1-.Ltmp0, $4  }
0xa: {  	s11 =	simm.s32 $0x0;
	s3 =	rddreg [dreg:$0x1];
	s5 =	sadd.s32 s4, s5  }
0xb: {  	_ =	strace $0x8000004A;
	s4 =	simm.s32 $0x1;
	s5 =	smul.u32 $0xC8, s5  }
0xc: {  	s6 =	sadd.s32 $0xA00, s6;
	s10 =	smov.u32 s2;
	[sflag:s4] =	ssyncpa.u1 $0x0  }
0xd: {  	p0 =	por $0x0, $0x0;
	[sflag:s7] =	ssyncpa.u1 $0x0;
	s7 =	sor.u32 $0x1, s5  }
.LBB1_4:
0xe: {  	s16 =	sshll.u32 s13, $0x3;
	s17 =	sand.u32 $0x78, s13  }
0xf: {  	s30 =	sand.u32 $0x7E00, s13;
	s12 =	sshll.u32 s12, $0xF;
	s16 =	sand.u32 $0xC00, s16  }
0x10: {  	[tilespmem:s15+$0x810 ss:$0x81] =	vst.msk $0xffff, v2;
	s31 =	sand.u32 $0x7, s13;
	s16 =	sor.u32 s17, s16;
	s17 =	sadd.s32 s3, s30  }
0x11: {  	[tilespmem:s15+$0x1020 ss:$0x81] =	vst.msk $0xffff, v0;
	s13 =	sshll.u32 s31, $0x12;
	s12 =	sadd.s32 s12, s17;
	s16 =	sshrl.u32 s16, $0x3  }
0x12: {  	[tilespmem:s15+$0x0 ss:$0x81] =	vst.msk $0xffff, v1;
	s13 =	sor.u32 $0x400, s13;
	s12 =	sadd.s32 s16, s12  }
0x13: {  	[hbm4b:s12+s13] =	stream.strided.scatter [tilespmem:s14], [sflag:$0x2], $0x2000, s8, s13, $0x20;
	[tilespmem:$0x8080] =	vst v63  }
.LBB1_5:
0x14: {  	s14 =	sadd.s32 $0x1, s9  }
0x15: {  	s12 =	sadd.s32 $0x1000, s10;
	s16 =	smov.u32 s10;
	p2 =	sgt.s32 s14, $0xC7  }
0x16: {  	s16 =	smov.u32 @p2 s12  }
0x17: {  	s14 =	simm.s32 @p2 $0x0;
	p2 =	sgt.s32 s16, $0xFFF  }
0x18: {  	s16 =	smov.u32 @p2 s2;
	p2 =	sne.s32 s11, s7  }
.Ltmp1:
0x19: {  	p1 =	slt.u32 s11, $0x2;
	(pc) =	sbr.rel @!p2 .LBB1_6-.Ltmp1, $4  }
0x1a: {  	s15 =	simm.s32 @!p1 $0x2  }
0x1b: {  	s13 =	smov.u32 s10;
	p0 =	por !p0, !p0;
	_ =	swait.ge @!p1 [sflag:s15], $0x2000  }
0x1c: {  	s12 =	smov.u32 s9;
	[sflag:s15] =	ssyncset.done @!p1 $0x0;
	s9 =	smov.u32 s14  }
0x1d: {  	s11 =	sadd.s32 $0x1, s11;
	[sflag:s15] =	ssyncadd.s32 @!p1 $0xFFFFE000;
	s10 =	smov.u32 s16  }
.LBB1_1:
0x1e: {  	p1 =	sge.u32 s11, s5  }
0x1f: {  	s14 =	sand.u32 @!p1 $0x1FFFFFF, s9  }
0x20: {  	s15 =	smulhi.u32 @!p1 $0x147AE15, s14;
	_ =	sdelay $0x1  }
0x21: {  	s15 =	smul.u32 @!p1 $0xC8, s15  }
0x22: {  	s16 =	sxor.u32 @!p1 $0xFFFFFFFF, s11;
	s17 =	smul.u32 @!p1 $0xC80, s10  }
0x23: {  	s31 =	sadd.s32 $0xFFFFFFFF, s11;
	s16 =	sshll.u32 @!p1 s16, $0xD;
	s14 =	ssub.s32 @!p1 s14, s15  }
0x24: {  	s15 =	sand.u32 @!p1 $0x2000, s16;
	s16 =	sadd.s32 @!p1 s6, s17;
	s14 =	sshll.u32 @!p1 s14, $0x4  }
0x25: {  	s17 =	simm.s32 @!p1 $0x6400;
	s14 =	sadd.s32 @!p1 s14, s16;
	s16 =	simm.s32 @!p1 $0x40  }
0x26: {  	[tilespmem:s15], [sflag:$0x1] =	stream.strided.gather @!p1 [hbm4b:s14+s16], $0x2000, s17, s16, $0x38;
	[tilespmem:$0x8080] =	vst v63  }
0x27: {  	p1 =	sge.u32 s31, s5  }
.Ltmp2:
0x28: {  	_ = 	snop;
	(pc) =	sbr.rel @p1 .LBB1_5-.Ltmp2, $1  }
0x29: {  	_ =	sdelay $0x3  }
0x2a: {  	s14 =	simm.s32 $0x1  }
0x2b: {  	_ =	swait.ge [sflag:s4], $0x2000;
	s14 =	simm.s32 @!p0 $0x0  }
0x2c: {  	[sflag:s4] =	ssyncset.done $0x0;
	s15 =	sshll.u32 s14, $0xD  }
0x2d: {  	[sflag:s4] =	ssyncadd.s32 $0xFFFFE000;
	s18 =	sor.u32 $0x20, s15  }
0x2e: {  	s14 =	smul.u32 $0x8100, s14;
	v3 =	vld [tilespmem:s18+$0x10]  }
0x2f: {  	s30 =	sand.u32 $0x1, s11;
	v2 =	vld [tilespmem:s18+$0xFFFFFFF0]  }
0x30: {  	s15 =	smul.u32 $0x8100, s30;
	s14 =	sshrl.u32 s14, $0x2;
	v0 =	vld [tilespmem:s18+$0x0]  }
0x31: {  	v1 =	vld [tilespmem:s18+$0xFFFFFFE0];
	s16 =	sor.u32 $0x4000, s14  }
0x32: {  	s31 =	sshrl.u32 s15, $0x2;
	s15 =	sadd.s32 $0x0, s16  }
0x33: {  	s17 =	simm.s32 $0x4;
	s18 =	sadd.s32 $0x40, s18;
	s14 =	sor.u32 $0x4000, s31;
	[tilespmem:s15+$0x1830 ss:$0x81] =	vst.msk $0xffff, v3  }
.LBB1_3:
0x34: {  	v3 =	vld [tilespmem:s18+$0x10];
	p1 =	sne.s32 s17, $0x1FC;
	[tilespmem:s15+$0x810 ss:$0x81] =	vst.msk $0xffff, v2;
	s19 =	smov.u32 s17;
	s17 =	sadd.s32 $0x4, s17  }
.Ltmp3:
0x35: {  	v2 =	vld [tilespmem:s18+$0xFFFFFFF0];
	[tilespmem:s15+$0x1020 ss:$0x81] =	vst.msk $0xffff, v0;
	(pc) =	sbr.rel @p1 .LBB1_3-.Ltmp3, $4  }
0x36: {  	v0 =	vld [tilespmem:s18+$0x0];
	[tilespmem:s15+$0x0 ss:$0x81] =	vst.msk $0xffff, v1  }
0x37: {  	s15 =	sshra.s32 s19, $0x2;
	v1 =	vld [tilespmem:s18+$0xFFFFFFE0]  }
0x38: {  	s15 =	sadd.s32 s15, s16  }
0x39: {  	s18 =	sadd.s32 $0x40, s18;
	[tilespmem:s15+$0x1830 ss:$0x81] =	vst.msk $0xffff, v3  }
.Ltmp4:
0x3a: {  	_ = 	snop;
	(pc) =	sbr.rel .LBB1_4-.Ltmp4, $1  }
0x3b: {  	_ =	sdelay $0x3  }
.LBB1_6:
0x3c: {  	_ =	sfence.sel $0x180000  }
0x3d: {  	s2 =	simm.s32 $0x1;
	[bflag:$0x0] =	sbarrier.arrive $0xFFFF  }
0x3e: {  	s31 =	simm.s32 $0x2;
	[sflag:s2] =	ssyncpa.u1 $0x1  }
0x3f: {  	[sflag:s31] =	ssyncpa.u1 $0x1  }
0x40: {  	p0 =	sne.s32 s0, $0x0;
	_ =	strace $0x9000004A  }
0x41: {  	s0 =	sadd.s32 @!p0 $0x100000, s1;
	[bflag:$0x2] =	sbarrier.arrive $0xFFFF  }
0x42: {  	[sflag:s0] =	ssyncadd.tile.s32 @!p0 $0x1;
	_ =	shalt  }
.Lfunc_end1:
_tile_overlayer_lowered:
.L_overlay_start_2:
0x43: {  	(tag) =	ssettag $0x2  }
0x44: {  	s0 =	rddreg [dreg:$0x0];
	s2 =	stileid.u32  }
0x45: {  	s1 =	rddreg [dreg:$0x1];
	p0 =	sne.s32 s2, $0x0  }
0x46: {  	s3 =	rddreg [dreg:$0x2];
	[bflag:$0x3] =	sbarrier.arrive $0xFFFF;
	s2 =	simm.s32 @!p0 $0x1C01  }
0x47: {  	[timem:s3], [sflag:s2] =	dma.local @!p0 [hbm:s0], s1  }
0x48: {  	s0 =	simm.s32 @!p0 $0x1  }
0x49: {  	_ =	swait.ge @!p0 [sflag:s0], s1  }
0x4a: {  	s1 =	ssub.s32 @!p0 $0x0, s1;
	[sflag:s0] =	ssyncset.done @!p0 $0x0  }
0x4b: {  	[sflag:s0] =	ssyncadd.s32 @!p0 s1  }
0x4c: {  	[bflag:$0x3] =	sbarrier.arrive $0xFFFF  }
0x4d: {  	_ =	shalt  }

</sc_bundles>
